<compile_context>
chip_gen: v7x
topology: tpu7x:2x2x1
jax: 0.10.2.dev20260603
libtpu: 0.0.44.dev20260713+nightly
codegen_flags: <defaults>
</compile_context>

<pallas_src>
import functools

import jax
import jax.numpy as jnp
from jax import lax
from jax.experimental import pallas as pl
from jax.experimental.pallas import tpu as pltpu
from jax.experimental.pallas import tpu_sc as plsc

N = 10000
E = 160000
R = 8
D = 128

NC = 2
NS = 16
NW = NC * NS
CHUNK = 80
NCHUNK = 64
EPW = CHUNK * NCHUNK
E_PAD = EPW * NW
N_PAD = 10240
RPT = N_PAD // NS
ND8 = N_PAD // 8
RPT8 = ND8 // NS
BN = 400
BN8 = BN // 8



def _dense_body(x_ref, wrel_ref, wself_ref, b_ref, t_ref, s_ref):
    x = x_ref[...]
    s_ref[...] = (
        lax.dot_general(x, wself_ref[...], (((1,), (1,)), ((), ())),
                        preferred_element_type=jnp.float32)
        + b_ref[...]
    )
    for r in range(R):
        t_ref[r] = lax.dot_general(x, wrel_ref[r], (((1,), (0,)), ((), ())),
                                   preferred_element_type=jnp.float32)


def _dense(x, wrel, wself, b):
    return pl.pallas_call(
        _dense_body,
        grid=(N // BN,),
        in_specs=[
            pl.BlockSpec((BN, D), lambda i: (i, 0)),
            pl.BlockSpec((R, D, D), lambda i: (0, 0, 0)),
            pl.BlockSpec((D, D), lambda i: (0, 0)),
            pl.BlockSpec((1, D), lambda i: (0, 0)),
        ],
        out_specs=[
            pl.BlockSpec((R, BN, D), lambda i: (0, i, 0)),
            pl.BlockSpec((BN, D), lambda i: (i, 0)),
        ],
        out_shape=[
            jax.ShapeDtypeStruct((R, N, D), jnp.float32),
            jax.ShapeDtypeStruct((N, D), jnp.float32),
        ],
    )(x, wrel, wself, b.reshape(1, D))


def _gidx_body(src_ref, typ_ref, dst_ref, g_ref, dg_ref, ds_ref):
    g_ref[...] = typ_ref[...] * N + src_ref[...]
    dg_ref[...] = lax.bitwise_and(dst_ref[...], 7)
    ds_ref[...] = lax.shift_right_logical(dst_ref[...], 3)


def _gidx(src, typ, dst):
    return pl.pallas_call(
        _gidx_body,
        out_shape=[
            jax.ShapeDtypeStruct((NW, NCHUNK, CHUNK), jnp.int32),
            jax.ShapeDtypeStruct((NW, NCHUNK, CHUNK), jnp.int32),
            jax.ShapeDtypeStruct((NW, NCHUNK, CHUNK), jnp.int32),
        ],
    )(src, typ, dst)


K = 2
NGROUP = NCHUNK // K


def _sc_pipe(idx2, dst2, table_h, acc_sh, rows, gsem, ssem, dummy_h):

    def group(g, c):
        @pl.when(g > 0)
        def _():
            for b in range(K):
                pltpu.make_async_copy(dummy_h, rows[b], ssem).wait()

        gd = []
        for b in range(K):
            gd.append(pltpu.async_copy(
                table_h.at[idx2.at[g * K + b]], rows[b], gsem))
        for b in range(K):
            gd[b].wait()
        for b in range(K):
            pltpu.async_copy(rows[b], acc_sh.at[dst2.at[g * K + b]], ssem,
                             add=True)
        return c

    lax.fori_loop(0, NGROUP, group, 0)
    for b in range(K):
        pltpu.make_async_copy(dummy_h, rows[b], ssem).wait()


def _sc_body(gidx_h, dst_h, table_h, zr_h,
             pout_h,
             agg_sh, gidx2, dst2, r0, r1,
             gsem, ssem):
    cid = lax.axis_index("c")
    sid = lax.axis_index("s")
    wid = cid * NS + sid
    row0 = sid * RPT
    pltpu.sync_copy(zr_h, agg_sh.at[pl.ds(row0, RPT)])
    pltpu.sync_copy(gidx_h.at[wid], gidx2)
    pltpu.sync_copy(dst_h.at[wid], dst2)
    plsc.subcore_barrier()
    _sc_pipe(gidx2, dst2, table_h, agg_sh, (r0, r1), gsem, ssem,
             zr_h.at[pl.ds(0, CHUNK)])
    plsc.subcore_barrier()
    pltpu.sync_copy(agg_sh.at[pl.ds(row0, RPT)],
                    pout_h.at[cid, pl.ds(row0, RPT)])


@functools.lru_cache(maxsize=None)
def _sc_agg_kernel():
    mesh = plsc.VectorSubcoreMesh(core_axis_name="c", subcore_axis_name="s",
                                  num_cores=NC, num_subcores=NS)
    return pl.kernel(
        _sc_body,
        out_type=jax.ShapeDtypeStruct((NC, N_PAD, D), jnp.float32),
        mesh=mesh,
        scratch_types=[
            pltpu.VMEM_SHARED((N_PAD, D), jnp.float32),
            pltpu.VMEM((NCHUNK, CHUNK), jnp.int32),
            pltpu.VMEM((NCHUNK, CHUNK), jnp.int32),
            pltpu.VMEM((CHUNK, D), jnp.float32),
            pltpu.VMEM((CHUNK, D), jnp.float32),
            pltpu.SemaphoreType.DMA,
            pltpu.SemaphoreType.DMA,
        ],
    )


def _sc_deg_body(dg_h, ds_h, onehot_h, zr_h,
                 pdeg_h,
                 deg_sh, dg2, ds2, r0, r1,
                 gsem, ssem):
    cid = lax.axis_index("c")
    sid = lax.axis_index("s")
    wid = cid * NS + sid
    row0 = sid * RPT8
    pltpu.sync_copy(zr_h.at[pl.ds(0, RPT8)], deg_sh.at[pl.ds(row0, RPT8)])
    pltpu.sync_copy(dg_h.at[wid], dg2)
    pltpu.sync_copy(ds_h.at[wid], ds2)
    plsc.subcore_barrier()
    _sc_pipe(dg2, ds2, onehot_h, deg_sh, (r0, r1), gsem, ssem,
             zr_h.at[pl.ds(0, CHUNK)])
    plsc.subcore_barrier()
    pltpu.sync_copy(deg_sh.at[pl.ds(row0, RPT8)],
                    pdeg_h.at[cid, pl.ds(row0, RPT8)])


@functools.lru_cache(maxsize=None)
def _sc_deg_kernel():
    mesh = plsc.VectorSubcoreMesh(core_axis_name="c", subcore_axis_name="s",
                                  num_cores=NC, num_subcores=NS)
    return pl.kernel(
        _sc_deg_body,
        out_type=jax.ShapeDtypeStruct((NC, ND8, D), jnp.float32),
        mesh=mesh,
        scratch_types=[
            pltpu.VMEM_SHARED((ND8, D), jnp.float32),
            pltpu.VMEM((NCHUNK, CHUNK), jnp.int32),
            pltpu.VMEM((NCHUNK, CHUNK), jnp.int32),
            pltpu.VMEM((CHUNK, D), jnp.float32),
            pltpu.VMEM((CHUNK, D), jnp.float32),
            pltpu.SemaphoreType.DMA,
            pltpu.SemaphoreType.DMA,
        ],
    )


def _degsum_body(pd_ref, d_ref):
    d8 = pd_ref[0] + pd_ref[1]
    ci = lax.broadcasted_iota(jnp.int32, (D, 8), 0)
    ki = lax.broadcasted_iota(jnp.int32, (D, 8), 1)
    sel = (ci == ki * 16).astype(jnp.float32)
    d_ref[...] = lax.dot_general(d8, sel, (((1,), (0,)), ((), ())),
                                 preferred_element_type=jnp.float32)


_BD = 160


def _degsum(pdeg):
    return pl.pallas_call(
        _degsum_body,
        grid=(ND8 // _BD,),
        in_specs=[pl.BlockSpec((NC, _BD, D), lambda i: (0, i, 0))],
        out_specs=pl.BlockSpec((_BD, 8), lambda i: (i, 0)),
        out_shape=jax.ShapeDtypeStruct((ND8, 8), jnp.float32),
    )(pdeg)


def _combine_body(s_ref, p_ref, d_ref, o_ref):
    deg = jnp.maximum(d_ref[...], 1.0)
    agg = p_ref[0] + p_ref[1]
    o_ref[...] = jnp.maximum(s_ref[...] + agg / deg, 0.0)


def _combine(selfout, p, deg):
    return pl.pallas_call(
        _combine_body,
        grid=(N // BN,),
        in_specs=[
            pl.BlockSpec((BN, D), lambda i: (i, 0)),
            pl.BlockSpec((NC, BN, D), lambda i: (0, i, 0)),
            pl.BlockSpec((BN, 1), lambda i: (i, 0)),
        ],
        out_specs=pl.BlockSpec((BN, D), lambda i: (i, 0)),
        out_shape=jax.ShapeDtypeStruct((N, D), jnp.float32),
    )(selfout, p, deg)


def kernel(local_nodes, edge_index_local, edge_type_local, node_emb,
           W_rel0, Wself_w0, Wself_b0, W_rel1, Wself_w1, Wself_b1):
    x = jnp.take(node_emb, local_nodes, axis=0)
    pad = E_PAD - E
    src = jnp.concatenate(
        [edge_index_local[0], jnp.zeros((pad,), jnp.int32)]
    ).reshape(NW, NCHUNK, CHUNK)
    typ = jnp.concatenate(
        [edge_type_local, jnp.zeros((pad,), jnp.int32)]
    ).reshape(NW, NCHUNK, CHUNK)
    dst = jnp.concatenate(
        [edge_index_local[1], jnp.full((pad,), N, jnp.int32)]
    ).reshape(NW, NCHUNK, CHUNK)
    zr = jnp.zeros((RPT, D), jnp.float32)
    onehot = (
        lax.broadcasted_iota(jnp.int32, (8, D), 1)
        == lax.broadcasted_iota(jnp.int32, (8, D), 0) * 16
    ).astype(jnp.float32)

    gidx, dgidx, dsidx = _gidx(src, typ, dst)
    pdeg = _sc_deg_kernel()(dgidx, dsidx, onehot, zr)
    deg = _degsum(pdeg).reshape(N_PAD, 1)
    t0, s0 = _dense(x, W_rel0, Wself_w0, Wself_b0)
    p0 = _sc_agg_kernel()(gidx, dst, t0.reshape(R * N, D), zr)
    x1 = _combine(s0, p0, deg)
    t1, s1 = _dense(x1, W_rel1, Wself_w1, Wself_b1)
    p1 = _sc_agg_kernel()(gidx, dst, t1.reshape(R * N, D), zr)
    x2 = _combine(s1, p1, deg)
    return x2

# --- scband reference (transcript-rebuilt; emitter-appended) ---
"""Pipeline reference for scband-pure-rgcn-66778151518271 (READ-ONLY COPY).

The authoritative reference and input builder live on the scoring server;
editing this copy changes nothing except your own understanding.
"""

import jax, jax.numpy as jnp
import numpy as np

N = 10000
E = 160000
R = 8
D = 128


def setup_inputs(seed: int = 0) -> dict:
    key = jax.random.key(seed)
    ks = jax.random.split(key, 10)
    local_nodes = jnp.arange(N, dtype=jnp.int32)
    edge_index_local = jax.random.randint(ks[0], (2, E), 0, N, dtype=jnp.int32)
    edge_type_local = jax.random.randint(ks[1], (E,), 0, R, dtype=jnp.int32)
    # learned parameters (xavier-ish init)
    node_emb = jax.random.normal(ks[2], (N, D), dtype=jnp.float32) * (1.0 / np.sqrt(D))
    W_rel0 = jax.random.normal(ks[3], (R, D, D), dtype=jnp.float32) * np.sqrt(2.0 / (D + D))
    Wself_w0 = jax.random.normal(ks[4], (D, D), dtype=jnp.float32) * np.sqrt(1.0 / D)
    Wself_b0 = jnp.zeros((D,), dtype=jnp.float32)
    W_rel1 = jax.random.normal(ks[5], (R, D, D), dtype=jnp.float32) * np.sqrt(2.0 / (D + D))
    Wself_w1 = jax.random.normal(ks[6], (D, D), dtype=jnp.float32) * np.sqrt(1.0 / D)
    Wself_b1 = jnp.zeros((D,), dtype=jnp.float32)
    return {
        "local_nodes": local_nodes,
        "edge_index_local": edge_index_local,
        "edge_type_local": edge_type_local,
        "node_emb": node_emb,
        "W_rel0": W_rel0,
        "Wself_w0": Wself_w0,
        "Wself_b0": Wself_b0,
        "W_rel1": W_rel1,
        "Wself_w1": Wself_w1,
        "Wself_b1": Wself_b1,
    }


def _rgcn_layer(x, edge_index, edge_type, W_rel, Wself_w, Wself_b):
    # self transform: nn.Linear -> x @ W^T + b
    n = x.shape[0]
    out_dim = W_rel.shape[2]
    out = x @ Wself_w.T + Wself_b
    src = edge_index[0]
    dst = edge_index[1]
    # msg[e] = x[src[e]] @ W_rel[edge_type[e]]
    # equivalent (same math) to transforming x by every relation matrix first,
    # then gathering per-edge; avoids materializing [E, D, D]
    transformed = jnp.einsum('nd,rdo->rno', x, W_rel)  # [R, N, out_dim]
    msg = transformed[edge_type, src]  # [E, out_dim]
    agg = jnp.zeros((n, out_dim), dtype=x.dtype).at[dst].add(msg)
    deg = jnp.zeros((n,), dtype=x.dtype).at[dst].add(jnp.ones((dst.shape[0],), dtype=x.dtype))
    deg = jnp.maximum(deg, 1.0)[:, None]
    out = out + agg / deg
    out = jax.nn.relu(out)
    # dropout p=0.0 / eval mode -> identity
    return out


def reference(local_nodes, edge_index_local, edge_type_local, node_emb,
              W_rel0, Wself_w0, Wself_b0, W_rel1, Wself_w1, Wself_b1):
    x = node_emb[local_nodes]
    x = _rgcn_layer(x, edge_index_local, edge_type_local, W_rel0, Wself_w0, Wself_b0)
    x = _rgcn_layer(x, edge_index_local, edge_type_local, W_rel1, Wself_w1, Wself_b1)
    return x

if __name__ == "__main__":
    import jax
    _d = setup_inputs()
    print(jax.jit(kernel)(*tuple(_d.values())))

</pallas_src>

<mosaic_0001>
#map = affine_map<(d0, d1) -> (0, 0, 0)>
#map1 = affine_map<(d0, d1) -> (0, 0)>
module attributes {stable_mosaic.version = 14 : i64} {
  func.func @_sc_body(%arg0: i32, %arg1: i32, %arg2: memref<32x64x80xi32, #tpu.memory_space<hbm>>, %arg3: memref<32x64x80xi32, #tpu.memory_space<hbm>>, %arg4: memref<80000x128xf32, #tpu.memory_space<hbm>>, %arg5: memref<640x128xf32, #tpu.memory_space<hbm>>, %arg6: memref<2x10240x128xf32, #tpu.memory_space<hbm>>, %arg7: memref<10240x128xf32, #tpu.memory_space<vmem_shared>>, %arg8: memref<64x80xi32, #tpu.memory_space<vmem>>, %arg9: memref<64x80xi32, #tpu.memory_space<vmem>>, %arg10: memref<80x128xf32, #tpu.memory_space<vmem>>, %arg11: memref<80x128xf32, #tpu.memory_space<vmem>>, %arg12: memref<!tpu.dma_semaphore, #tpu.memory_space<semaphore_mem>>, %arg13: memref<!tpu.dma_semaphore, #tpu.memory_space<semaphore_mem>>) attributes {dimension_semantics = [#tpu.dimension_semantics<core_parallel>, #tpu.dimension_semantics<subcore_parallel>], iteration_bounds = array<i64: 2, 16>, scalar_prefetch = 0 : i64, scratch_operands = 7 : i64, tpu.core_type = #tpu.core_type<sc_vector_subcore>, window_params = [{transform_indices = #map}, {transform_indices = #map}, {transform_indices = #map1}, {transform_indices = #map1}, {transform_indices = #map}]} {
    %mul3A = arith.constant 16 : i32
    %mul3A_0 = arith.muli %arg0, %mul3A : i32
    %add3A = arith.addi %mul3A_0, %arg1 : i32
    %mul3A_1 = arith.constant 640 : i32
    %mul3A_2 = arith.muli %arg1, %mul3A_1 : i32
    "tpu.region"() ({
      %run_scoped3A = tpu.sem_alloc : memref<!tpu.dma_semaphore, #tpu.memory_space<semaphore_mem>>
      %dma_start3A = arith.constant 0 : i32
      %dma_start3A_20 = tpu.memref_slice %arg7[%mul3A_2, %dma_start3A] : memref<10240x128xf32, #tpu.memory_space<vmem_shared>> -> memref<640x128xf32, #tpu.memory_space<vmem_shared>>
      tpu.enqueue_dma source(%arg5 : memref<640x128xf32, #tpu.memory_space<hbm>>) target(%dma_start3A_20 : memref<640x128xf32, #tpu.memory_space<vmem_shared>>) target_semaphore(%run_scoped3A : memref<!tpu.dma_semaphore, #tpu.memory_space<semaphore_mem>>)
      %dma_wait3A_21 = arith.constant 0 : i32
      %dma_wait3A_22 = tpu.memref_slice %arg7[%mul3A_2, %dma_wait3A_21] : memref<10240x128xf32, #tpu.memory_space<vmem_shared>> -> memref<640x128xf32, #tpu.memory_space<vmem_shared>>
      tpu.wait_dma2 semaphore(%run_scoped3A : memref<!tpu.dma_semaphore, #tpu.memory_space<semaphore_mem>>) src(%arg5 : memref<640x128xf32, #tpu.memory_space<hbm>>) dst(%dma_wait3A_22 : memref<640x128xf32, #tpu.memory_space<vmem_shared>>)
      tpu.yield
    }) : () -> ()
    "tpu.region"() ({
      %run_scoped3A = tpu.sem_alloc : memref<!tpu.dma_semaphore, #tpu.memory_space<semaphore_mem>>
      %dma_start3A = arith.constant 0 : i32
      %dma_start3A_20 = arith.constant 0 : i32
      %dma_start3A_21 = tpu.memref_slice %arg2[%add3A, %dma_start3A, %dma_start3A_20] : memref<32x64x80xi32, #tpu.memory_space<hbm>> -> memref<1x64x80xi32, #tpu.memory_space<hbm>>
      %dma_start3A_22 = tpu.memref_squeeze %dma_start3A_21 : memref<1x64x80xi32, #tpu.memory_space<hbm>> -> memref<64x80xi32, #tpu.memory_space<hbm>>
      %dma_start3A_23 = arith.constant 0 : i32
      %dma_start3A_24 = arith.constant 0 : i32
      %dma_start3A_25 = tpu.memref_slice %arg2[%add3A, %dma_start3A_23, %dma_start3A_24] : memref<32x64x80xi32, #tpu.memory_space<hbm>> -> memref<1x64x80xi32, #tpu.memory_space<hbm>>
      %dma_start3A_26 = tpu.memref_squeeze %dma_start3A_25 : memref<1x64x80xi32, #tpu.memory_space<hbm>> -> memref<64x80xi32, #tpu.memory_space<hbm>>
      tpu.enqueue_dma source(%dma_start3A_26 : memref<64x80xi32, #tpu.memory_space<hbm>>) target(%arg8 : memref<64x80xi32, #tpu.memory_space<vmem>>) target_semaphore(%run_scoped3A : memref<!tpu.dma_semaphore, #tpu.memory_space<semaphore_mem>>)
      %dma_wait3A_27 = arith.constant 0 : i32
      %dma_wait3A_28 = arith.constant 0 : i32
      %dma_wait3A_29 = tpu.memref_slice %arg2[%add3A, %dma_wait3A_27, %dma_wait3A_28] : memref<32x64x80xi32, #tpu.memory_space<hbm>> -> memref<1x64x80xi32, #tpu.memory_space<hbm>>
      %dma_wait3A_30 = tpu.memref_squeeze %dma_wait3A_29 : memref<1x64x80xi32, #tpu.memory_space<hbm>> -> memref<64x80xi32, #tpu.memory_space<hbm>>
      %dma_wait3A_31 = arith.constant 0 : i32
      %dma_wait3A_32 = arith.constant 0 : i32
      %dma_wait3A_33 = tpu.memref_slice %arg2[%add3A, %dma_wait3A_31, %dma_wait3A_32] : memref<32x64x80xi32, #tpu.memory_space<hbm>> -> memref<1x64x80xi32, #tpu.memory_space<hbm>>
      %dma_wait3A_34 = tpu.memref_squeeze %dma_wait3A_33 : memref<1x64x80xi32, #tpu.memory_space<hbm>> -> memref<64x80xi32, #tpu.memory_space<hbm>>
      tpu.wait_dma2 semaphore(%run_scoped3A : memref<!tpu.dma_semaphore, #tpu.memory_space<semaphore_mem>>) src(%dma_wait3A_34 : memref<64x80xi32, #tpu.memory_space<hbm>>) dst(%arg8 : memref<64x80xi32, #tpu.memory_space<vmem>>)
      tpu.yield
    }) : () -> ()
    "tpu.region"() ({
      %run_scoped3A = tpu.sem_alloc : memref<!tpu.dma_semaphore, #tpu.memory_space<semaphore_mem>>
      %dma_start3A = arith.constant 0 : i32
      %dma_start3A_20 = arith.constant 0 : i32
      %dma_start3A_21 = tpu.memref_slice %arg3[%add3A, %dma_start3A, %dma_start3A_20] : memref<32x64x80xi32, #tpu.memory_space<hbm>> -> memref<1x64x80xi32, #tpu.memory_space<hbm>>
      %dma_start3A_22 = tpu.memref_squeeze %dma_start3A_21 : memref<1x64x80xi32, #tpu.memory_space<hbm>> -> memref<64x80xi32, #tpu.memory_space<hbm>>
      %dma_start3A_23 = arith.constant 0 : i32
      %dma_start3A_24 = arith.constant 0 : i32
      %dma_start3A_25 = tpu.memref_slice %arg3[%add3A, %dma_start3A_23, %dma_start3A_24] : memref<32x64x80xi32, #tpu.memory_space<hbm>> -> memref<1x64x80xi32, #tpu.memory_space<hbm>>
      %dma_start3A_26 = tpu.memref_squeeze %dma_start3A_25 : memref<1x64x80xi32, #tpu.memory_space<hbm>> -> memref<64x80xi32, #tpu.memory_space<hbm>>
      tpu.enqueue_dma source(%dma_start3A_26 : memref<64x80xi32, #tpu.memory_space<hbm>>) target(%arg9 : memref<64x80xi32, #tpu.memory_space<vmem>>) target_semaphore(%run_scoped3A : memref<!tpu.dma_semaphore, #tpu.memory_space<semaphore_mem>>)
      %dma_wait3A_27 = arith.constant 0 : i32
      %dma_wait3A_28 = arith.constant 0 : i32
      %dma_wait3A_29 = tpu.memref_slice %arg3[%add3A, %dma_wait3A_27, %dma_wait3A_28] : memref<32x64x80xi32, #tpu.memory_space<hbm>> -> memref<1x64x80xi32, #tpu.memory_space<hbm>>
      %dma_wait3A_30 = tpu.memref_squeeze %dma_wait3A_29 : memref<1x64x80xi32, #tpu.memory_space<hbm>> -> memref<64x80xi32, #tpu.memory_space<hbm>>
      %dma_wait3A_31 = arith.constant 0 : i32
      %dma_wait3A_32 = arith.constant 0 : i32
      %dma_wait3A_33 = tpu.memref_slice %arg3[%add3A, %dma_wait3A_31, %dma_wait3A_32] : memref<32x64x80xi32, #tpu.memory_space<hbm>> -> memref<1x64x80xi32, #tpu.memory_space<hbm>>
      %dma_wait3A_34 = tpu.memref_squeeze %dma_wait3A_33 : memref<1x64x80xi32, #tpu.memory_space<hbm>> -> memref<64x80xi32, #tpu.memory_space<hbm>>
      tpu.wait_dma2 semaphore(%run_scoped3A : memref<!tpu.dma_semaphore, #tpu.memory_space<semaphore_mem>>) src(%dma_wait3A_34 : memref<64x80xi32, #tpu.memory_space<hbm>>) dst(%arg9 : memref<64x80xi32, #tpu.memory_space<vmem>>)
      tpu.yield
    }) : () -> ()
    %barrier3A = arith.constant 0 : index
    tpu.barrier barrier_id(%barrier3A)
    %scan3A = arith.constant 0 : i32
    %scan3A_3 = arith.constant 0 : i32
    %scan3A_4 = arith.constant 32 : i32
    %scan3A_5 = arith.addi %scan3A_3, %scan3A_4 : i32
    %scan3A_6 = arith.constant 1 : i32
    scf.for %scan3A_20 = %scan3A_3 to %scan3A_5 step %scan3A_6  : i32 {
      %gt3A = arith.constant 0 : i32
      %gt3A_21 = arith.cmpi sgt, %scan3A_20, %gt3A : i32
      %convert_element_type3A = arith.extui %gt3A_21 : i1 to i32
      %cond3A = arith.constant 0 : i32
      %cond3A_22 = arith.cmpi ne, %convert_element_type3A, %cond3A : i32
      scf.if %cond3A_22 {
        %dma_wait3A_74 = arith.constant 0 : i32
        %dma_wait3A_75 = arith.constant 0 : i32
        %dma_wait3A_76 = tpu.memref_slice %arg5[%dma_wait3A_74, %dma_wait3A_75] : memref<640x128xf32, #tpu.memory_space<hbm>> -> memref<80x128xf32, #tpu.memory_space<hbm>>
        %dma_wait3A_77 = arith.constant 0 : i32
        %dma_wait3A_78 = arith.constant 0 : i32
        %dma_wait3A_79 = tpu.memref_slice %arg5[%dma_wait3A_77, %dma_wait3A_78] : memref<640x128xf32, #tpu.memory_space<hbm>> -> memref<80x128xf32, #tpu.memory_space<hbm>>
        tpu.wait_dma2 semaphore(%arg13 : memref<!tpu.dma_semaphore, #tpu.memory_space<semaphore_mem>>) src(%dma_wait3A_79 : memref<80x128xf32, #tpu.memory_space<hbm>>) dst(%arg10 : memref<80x128xf32, #tpu.memory_space<vmem>>)
        %dma_wait3A_80 = arith.constant 0 : i32
        %dma_wait3A_81 = arith.constant 0 : i32
        %dma_wait3A_82 = tpu.memref_slice %arg5[%dma_wait3A_80, %dma_wait3A_81] : memref<640x128xf32, #tpu.memory_space<hbm>> -> memref<80x128xf32, #tpu.memory_space<hbm>>
        %dma_wait3A_83 = arith.constant 0 : i32
        %dma_wait3A_84 = arith.constant 0 : i32
        %dma_wait3A_85 = tpu.memref_slice %arg5[%dma_wait3A_83, %dma_wait3A_84] : memref<640x128xf32, #tpu.memory_space<hbm>> -> memref<80x128xf32, #tpu.memory_space<hbm>>
        tpu.wait_dma2 semaphore(%arg13 : memref<!tpu.dma_semaphore, #tpu.memory_space<semaphore_mem>>) src(%dma_wait3A_85 : memref<80x128xf32, #tpu.memory_space<hbm>>) dst(%arg11 : memref<80x128xf32, #tpu.memory_space<vmem>>)
      } else {
      }
      %mul3A_23 = arith.constant 2 : i32
      %mul3A_24 = arith.muli %scan3A_20, %mul3A_23 : i32
      %add3A_25 = arith.constant 0 : i32
      %add3A_26 = arith.addi %mul3A_24, %add3A_25 : i32
      %dma_start3A = arith.constant 0 : i32
      %dma_start3A_27 = tpu.memref_slice %arg8[%add3A_26, %dma_start3A] : memref<64x80xi32, #tpu.memory_space<vmem>> -> memref<1x80xi32, #tpu.memory_space<vmem>>
      %dma_start3A_28 = tpu.memref_squeeze %dma_start3A_27 : memref<1x80xi32, #tpu.memory_space<vmem>> -> memref<80xi32, #tpu.memory_space<vmem>>
      %dma_start3A_29 = arith.constant 0 : i32
      %dma_start3A_30 = arith.constant 0 : i32
      %dma_start3A_31 = tpu.memref_slice %arg4[%dma_start3A_29, %dma_start3A_30] : memref<80000x128xf32, #tpu.memory_space<hbm>> -> memref<80000x128xf32, #tpu.memory_space<hbm>>
      tpu.enqueue_indirect_dma source(%dma_start3A_31 : memref<80000x128xf32, #tpu.memory_space<hbm>>) target(%arg10 : memref<80x128xf32, #tpu.memory_space<vmem>>) offsets(%dma_start3A_28 : memref<80xi32, #tpu.memory_space<vmem>>) semaphore(%arg12 : memref<!tpu.dma_semaphore, #tpu.memory_space<semaphore_mem>>)
      %mul3A_32 = arith.constant 2 : i32
      %mul3A_33 = arith.muli %scan3A_20, %mul3A_32 : i32
      %add3A_34 = arith.constant 1 : i32
      %add3A_35 = arith.addi %mul3A_33, %add3A_34 : i32
      %dma_start3A_36 = arith.constant 0 : i32
      %dma_start3A_37 = tpu.memref_slice %arg8[%add3A_35, %dma_start3A_36] : memref<64x80xi32, #tpu.memory_space<vmem>> -> memref<1x80xi32, #tpu.memory_space<vmem>>
      %dma_start3A_38 = tpu.memref_squeeze %dma_start3A_37 : memref<1x80xi32, #tpu.memory_space<vmem>> -> memref<80xi32, #tpu.memory_space<vmem>>
      %dma_start3A_39 = arith.constant 0 : i32
      %dma_start3A_40 = arith.constant 0 : i32
      %dma_start3A_41 = tpu.memref_slice %arg4[%dma_start3A_39, %dma_start3A_40] : memref<80000x128xf32, #tpu.memory_space<hbm>> -> memref<80000x128xf32, #tpu.memory_space<hbm>>
      tpu.enqueue_indirect_dma source(%dma_start3A_41 : memref<80000x128xf32, #tpu.memory_space<hbm>>) target(%arg11 : memref<80x128xf32, #tpu.memory_space<vmem>>) offsets(%dma_start3A_38 : memref<80xi32, #tpu.memory_space<vmem>>) semaphore(%arg12 : memref<!tpu.dma_semaphore, #tpu.memory_space<semaphore_mem>>)
      %dma_wait3A_42 = arith.constant 0 : i32
      %dma_wait3A_43 = tpu.memref_slice %arg8[%add3A_26, %dma_wait3A_42] : memref<64x80xi32, #tpu.memory_space<vmem>> -> memref<1x80xi32, #tpu.memory_space<vmem>>
      %dma_wait3A_44 = tpu.memref_squeeze %dma_wait3A_43 : memref<1x80xi32, #tpu.memory_space<vmem>> -> memref<80xi32, #tpu.memory_space<vmem>>
      %dma_wait3A_45 = arith.constant 0 : i32
      %dma_wait3A_46 = arith.constant 0 : i32
      %dma_wait3A_47 = tpu.memref_slice %arg4[%dma_wait3A_45, %dma_wait3A_46] : memref<80000x128xf32, #tpu.memory_space<hbm>> -> memref<80000x128xf32, #tpu.memory_space<hbm>>
      tpu.wait_indirect_dma semaphore(%arg12 : memref<!tpu.dma_semaphore, #tpu.memory_space<semaphore_mem>>) src(%dma_wait3A_47 : memref<80000x128xf32, #tpu.memory_space<hbm>>) dst(%arg10 : memref<80x128xf32, #tpu.memory_space<vmem>>)
      %dma_wait3A_48 = arith.constant 0 : i32
      %dma_wait3A_49 = tpu.memref_slice %arg8[%add3A_35, %dma_wait3A_48] : memref<64x80xi32, #tpu.memory_space<vmem>> -> memref<1x80xi32, #tpu.memory_space<vmem>>
      %dma_wait3A_50 = tpu.memref_squeeze %dma_wait3A_49 : memref<1x80xi32, #tpu.memory_space<vmem>> -> memref<80xi32, #tpu.memory_space<vmem>>
      %dma_wait3A_51 = arith.constant 0 : i32
      %dma_wait3A_52 = arith.constant 0 : i32
      %dma_wait3A_53 = tpu.memref_slice %arg4[%dma_wait3A_51, %dma_wait3A_52] : memref<80000x128xf32, #tpu.memory_space<hbm>> -> memref<80000x128xf32, #tpu.memory_space<hbm>>
      tpu.wait_indirect_dma semaphore(%arg12 : memref<!tpu.dma_semaphore, #tpu.memory_space<semaphore_mem>>) src(%dma_wait3A_53 : memref<80000x128xf32, #tpu.memory_space<hbm>>) dst(%arg11 : memref<80x128xf32, #tpu.memory_space<vmem>>)
      %mul3A_54 = arith.constant 2 : i32
      %mul3A_55 = arith.muli %scan3A_20, %mul3A_54 : i32
      %add3A_56 = arith.constant 0 : i32
      %add3A_57 = arith.addi %mul3A_55, %add3A_56 : i32
      %dma_start3A_58 = arith.constant 0 : i32
      %dma_start3A_59 = tpu.memref_slice %arg9[%add3A_57, %dma_start3A_58] : memref<64x80xi32, #tpu.memory_space<vmem>> -> memref<1x80xi32, #tpu.memory_space<vmem>>
      %dma_start3A_60 = tpu.memref_squeeze %dma_start3A_59 : memref<1x80xi32, #tpu.memory_space<vmem>> -> memref<80xi32, #tpu.memory_space<vmem>>
      %dma_start3A_61 = arith.constant 0 : i32
      %dma_start3A_62 = arith.constant 0 : i32
      %dma_start3A_63 = tpu.memref_slice %arg7[%dma_start3A_61, %dma_start3A_62] : memref<10240x128xf32, #tpu.memory_space<vmem_shared>> -> memref<10240x128xf32, #tpu.memory_space<vmem_shared>>
      tpu.enqueue_indirect_dma source(%arg10 : memref<80x128xf32, #tpu.memory_space<vmem>>) target(%dma_start3A_63 : memref<10240x128xf32, #tpu.memory_space<vmem_shared>>) offsets(%dma_start3A_60 : memref<80xi32, #tpu.memory_space<vmem>>) semaphore(%arg13 : memref<!tpu.dma_semaphore, #tpu.memory_space<semaphore_mem>>) {add = true}
      %mul3A_64 = arith.constant 2 : i32
      %mul3A_65 = arith.muli %scan3A_20, %mul3A_64 : i32
      %add3A_66 = arith.constant 1 : i32
      %add3A_67 = arith.addi %mul3A_65, %add3A_66 : i32
      %dma_start3A_68 = arith.constant 0 : i32
      %dma_start3A_69 = tpu.memref_slice %arg9[%add3A_67, %dma_start3A_68] : memref<64x80xi32, #tpu.memory_space<vmem>> -> memref<1x80xi32, #tpu.memory_space<vmem>>
      %dma_start3A_70 = tpu.memref_squeeze %dma_start3A_69 : memref<1x80xi32, #tpu.memory_space<vmem>> -> memref<80xi32, #tpu.memory_space<vmem>>
      %dma_start3A_71 = arith.constant 0 : i32
      %dma_start3A_72 = arith.constant 0 : i32
      %dma_start3A_73 = tpu.memref_slice %arg7[%dma_start3A_71, %dma_start3A_72] : memref<10240x128xf32, #tpu.memory_space<vmem_shared>> -> memref<10240x128xf32, #tpu.memory_space<vmem_shared>>
      tpu.enqueue_indirect_dma source(%arg11 : memref<80x128xf32, #tpu.memory_space<vmem>>) target(%dma_start3A_73 : memref<10240x128xf32, #tpu.memory_space<vmem_shared>>) offsets(%dma_start3A_70 : memref<80xi32, #tpu.memory_space<vmem>>) semaphore(%arg13 : memref<!tpu.dma_semaphore, #tpu.memory_space<semaphore_mem>>) {add = true}
    }
    %scan3A_7 = arith.constant 32 : i32
    %dma_wait3A = arith.constant 0 : i32
    %dma_wait3A_8 = arith.constant 0 : i32
    %dma_wait3A_9 = tpu.memref_slice %arg5[%dma_wait3A, %dma_wait3A_8] : memref<640x128xf32, #tpu.memory_space<hbm>> -> memref<80x128xf32, #tpu.memory_space<hbm>>
    %dma_wait3A_10 = arith.constant 0 : i32
    %dma_wait3A_11 = arith.constant 0 : i32
    %dma_wait3A_12 = tpu.memref_slice %arg5[%dma_wait3A_10, %dma_wait3A_11] : memref<640x128xf32, #tpu.memory_space<hbm>> -> memref<80x128xf32, #tpu.memory_space<hbm>>
    tpu.wait_dma2 semaphore(%arg13 : memref<!tpu.dma_semaphore, #tpu.memory_space<semaphore_mem>>) src(%dma_wait3A_12 : memref<80x128xf32, #tpu.memory_space<hbm>>) dst(%arg10 : memref<80x128xf32, #tpu.memory_space<vmem>>)
    %dma_wait3A_13 = arith.constant 0 : i32
    %dma_wait3A_14 = arith.constant 0 : i32
    %dma_wait3A_15 = tpu.memref_slice %arg5[%dma_wait3A_13, %dma_wait3A_14] : memref<640x128xf32, #tpu.memory_space<hbm>> -> memref<80x128xf32, #tpu.memory_space<hbm>>
    %dma_wait3A_16 = arith.constant 0 : i32
    %dma_wait3A_17 = arith.constant 0 : i32
    %dma_wait3A_18 = tpu.memref_slice %arg5[%dma_wait3A_16, %dma_wait3A_17] : memref<640x128xf32, #tpu.memory_space<hbm>> -> memref<80x128xf32, #tpu.memory_space<hbm>>
    tpu.wait_dma2 semaphore(%arg13 : memref<!tpu.dma_semaphore, #tpu.memory_space<semaphore_mem>>) src(%dma_wait3A_18 : memref<80x128xf32, #tpu.memory_space<hbm>>) dst(%arg11 : memref<80x128xf32, #tpu.memory_space<vmem>>)
    %barrier3A_19 = arith.constant 0 : index
    tpu.barrier barrier_id(%barrier3A_19)
    "tpu.region"() ({
      %run_scoped3A = tpu.sem_alloc : memref<!tpu.dma_semaphore, #tpu.memory_space<semaphore_mem>>
      %dma_start3A = arith.constant 0 : i32
      %dma_start3A_20 = tpu.memref_slice %arg6[%arg0, %mul3A_2, %dma_start3A] : memref<2x10240x128xf32, #tpu.memory_space<hbm>> -> memref<1x640x128xf32, #tpu.memory_space<hbm>>
      %dma_start3A_21 = tpu.memref_squeeze %dma_start3A_20 : memref<1x640x128xf32, #tpu.memory_space<hbm>> -> memref<640x128xf32, #tpu.memory_space<hbm>>
      %dma_start3A_22 = arith.constant 0 : i32
      %dma_start3A_23 = tpu.memref_slice %arg7[%mul3A_2, %dma_start3A_22] : memref<10240x128xf32, #tpu.memory_space<vmem_shared>> -> memref<640x128xf32, #tpu.memory_space<vmem_shared>>
      tpu.enqueue_dma source(%dma_start3A_23 : memref<640x128xf32, #tpu.memory_space<vmem_shared>>) target(%dma_start3A_21 : memref<640x128xf32, #tpu.memory_space<hbm>>) target_semaphore(%run_scoped3A : memref<!tpu.dma_semaphore, #tpu.memory_space<semaphore_mem>>)
      %dma_wait3A_24 = arith.constant 0 : i32
      %dma_wait3A_25 = tpu.memref_slice %arg6[%arg0, %mul3A_2, %dma_wait3A_24] : memref<2x10240x128xf32, #tpu.memory_space<hbm>> -> memref<1x640x128xf32, #tpu.memory_space<hbm>>
      %dma_wait3A_26 = tpu.memref_squeeze %dma_wait3A_25 : memref<1x640x128xf32, #tpu.memory_space<hbm>> -> memref<640x128xf32, #tpu.memory_space<hbm>>
      %dma_wait3A_27 = arith.constant 0 : i32
      %dma_wait3A_28 = tpu.memref_slice %arg7[%mul3A_2, %dma_wait3A_27] : memref<10240x128xf32, #tpu.memory_space<vmem_shared>> -> memref<640x128xf32, #tpu.memory_space<vmem_shared>>
      tpu.wait_dma2 semaphore(%run_scoped3A : memref<!tpu.dma_semaphore, #tpu.memory_space<semaphore_mem>>) src(%dma_wait3A_28 : memref<640x128xf32, #tpu.memory_space<vmem_shared>>) dst(%dma_wait3A_26 : memref<640x128xf32, #tpu.memory_space<hbm>>)
      tpu.yield
    }) : () -> ()
    return
  }
}

#map = affine_map<(d0, d1) -> (0, 0, 0)>
#map1 = affine_map<(d0, d1) -> (0, 0)>
module attributes {stable_mosaic.version = 14 : i64} {
  func.func @_sc_body(%arg0: i32, %arg1: i32, %arg2: memref<32x64x80xi32, #tpu.memory_space<hbm>>, %arg3: memref<32x64x80xi32, #tpu.memory_space<hbm>>, %arg4: memref<80000x128xf32, #tpu.memory_space<hbm>>, %arg5: memref<640x128xf32, #tpu.memory_space<hbm>>, %arg6: memref<2x10240x128xf32, #tpu.memory_space<hbm>>, %arg7: memref<10240x128xf32, #tpu.memory_space<vmem_shared>>, %arg8: memref<64x80xi32, #tpu.memory_space<vmem>>, %arg9: memref<64x80xi32, #tpu.memory_space<vmem>>, %arg10: memref<80x128xf32, #tpu.memory_space<vmem>>, %arg11: memref<80x128xf32, #tpu.memory_space<vmem>>, %arg12: memref<!tpu.dma_semaphore, #tpu.memory_space<semaphore_mem>>, %arg13: memref<!tpu.dma_semaphore, #tpu.memory_space<semaphore_mem>>) attributes {dimension_semantics = [#tpu.dimension_semantics<core_parallel>, #tpu.dimension_semantics<subcore_parallel>], iteration_bounds = array<i64: 2, 16>, scalar_prefetch = 0 : i64, scratch_operands = 7 : i64, tpu.core_type = #tpu.core_type<sc_vector_subcore>, window_params = [{transform_indices = #map}, {transform_indices = #map}, {transform_indices = #map1}, {transform_indices = #map1}, {transform_indices = #map}]} {
    %mul3A = arith.constant 16 : i32
    %mul3A_0 = arith.muli %arg0, %mul3A : i32
    %add3A = arith.addi %mul3A_0, %arg1 : i32
    %mul3A_1 = arith.constant 640 : i32
    %mul3A_2 = arith.muli %arg1, %mul3A_1 : i32
    "tpu.region"() ({
      %run_scoped3A = tpu.sem_alloc : memref<!tpu.dma_semaphore, #tpu.memory_space<semaphore_mem>>
      %dma_start3A = arith.constant 0 : i32
      %dma_start3A_20 = tpu.memref_slice %arg7[%mul3A_2, %dma_start3A] : memref<10240x128xf32, #tpu.memory_space<vmem_shared>> -> memref<640x128xf32, #tpu.memory_space<vmem_shared>>
      tpu.enqueue_dma source(%arg5 : memref<640x128xf32, #tpu.memory_space<hbm>>) target(%dma_start3A_20 : memref<640x128xf32, #tpu.memory_space<vmem_shared>>) target_semaphore(%run_scoped3A : memref<!tpu.dma_semaphore, #tpu.memory_space<semaphore_mem>>)
      %dma_wait3A_21 = arith.constant 0 : i32
      %dma_wait3A_22 = tpu.memref_slice %arg7[%mul3A_2, %dma_wait3A_21] : memref<10240x128xf32, #tpu.memory_space<vmem_shared>> -> memref<640x128xf32, #tpu.memory_space<vmem_shared>>
      tpu.wait_dma2 semaphore(%run_scoped3A : memref<!tpu.dma_semaphore, #tpu.memory_space<semaphore_mem>>) src(%arg5 : memref<640x128xf32, #tpu.memory_space<hbm>>) dst(%dma_wait3A_22 : memref<640x128xf32, #tpu.memory_space<vmem_shared>>)
      tpu.yield
    }) : () -> ()
    "tpu.region"() ({
      %run_scoped3A = tpu.sem_alloc : memref<!tpu.dma_semaphore, #tpu.memory_space<semaphore_mem>>
      %dma_start3A = arith.constant 0 : i32
      %dma_start3A_20 = arith.constant 0 : i32
      %dma_start3A_21 = tpu.memref_slice %arg2[%add3A, %dma_start3A, %dma_start3A_20] : memref<32x64x80xi32, #tpu.memory_space<hbm>> -> memref<1x64x80xi32, #tpu.memory_space<hbm>>
      %dma_start3A_22 = tpu.memref_squeeze %dma_start3A_21 : memref<1x64x80xi32, #tpu.memory_space<hbm>> -> memref<64x80xi32, #tpu.memory_space<hbm>>
      %dma_start3A_23 = arith.constant 0 : i32
      %dma_start3A_24 = arith.constant 0 : i32
      %dma_start3A_25 = tpu.memref_slice %arg2[%add3A, %dma_start3A_23, %dma_start3A_24] : memref<32x64x80xi32, #tpu.memory_space<hbm>> -> memref<1x64x80xi32, #tpu.memory_space<hbm>>
      %dma_start3A_26 = tpu.memref_squeeze %dma_start3A_25 : memref<1x64x80xi32, #tpu.memory_space<hbm>> -> memref<64x80xi32, #tpu.memory_space<hbm>>
      tpu.enqueue_dma source(%dma_start3A_26 : memref<64x80xi32, #tpu.memory_space<hbm>>) target(%arg8 : memref<64x80xi32, #tpu.memory_space<vmem>>) target_semaphore(%run_scoped3A : memref<!tpu.dma_semaphore, #tpu.memory_space<semaphore_mem>>)
      %dma_wait3A_27 = arith.constant 0 : i32
      %dma_wait3A_28 = arith.constant 0 : i32
      %dma_wait3A_29 = tpu.memref_slice %arg2[%add3A, %dma_wait3A_27, %dma_wait3A_28] : memref<32x64x80xi32, #tpu.memory_space<hbm>> -> memref<1x64x80xi32, #tpu.memory_space<hbm>>
      %dma_wait3A_30 = tpu.memref_squeeze %dma_wait3A_29 : memref<1x64x80xi32, #tpu.memory_space<hbm>> -> memref<64x80xi32, #tpu.memory_space<hbm>>
      %dma_wait3A_31 = arith.constant 0 : i32
      %dma_wait3A_32 = arith.constant 0 : i32
      %dma_wait3A_33 = tpu.memref_slice %arg2[%add3A, %dma_wait3A_31, %dma_wait3A_32] : memref<32x64x80xi32, #tpu.memory_space<hbm>> -> memref<1x64x80xi32, #tpu.memory_space<hbm>>
      %dma_wait3A_34 = tpu.memref_squeeze %dma_wait3A_33 : memref<1x64x80xi32, #tpu.memory_space<hbm>> -> memref<64x80xi32, #tpu.memory_space<hbm>>
      tpu.wait_dma2 semaphore(%run_scoped3A : memref<!tpu.dma_semaphore, #tpu.memory_space<semaphore_mem>>) src(%dma_wait3A_34 : memref<64x80xi32, #tpu.memory_space<hbm>>) dst(%arg8 : memref<64x80xi32, #tpu.memory_space<vmem>>)
      tpu.yield
    }) : () -> ()
    "tpu.region"() ({
      %run_scoped3A = tpu.sem_alloc : memref<!tpu.dma_semaphore, #tpu.memory_space<semaphore_mem>>
      %dma_start3A = arith.constant 0 : i32
      %dma_start3A_20 = arith.constant 0 : i32
      %dma_start3A_21 = tpu.memref_slice %arg3[%add3A, %dma_start3A, %dma_start3A_20] : memref<32x64x80xi32, #tpu.memory_space<hbm>> -> memref<1x64x80xi32, #tpu.memory_space<hbm>>
      %dma_start3A_22 = tpu.memref_squeeze %dma_start3A_21 : memref<1x64x80xi32, #tpu.memory_space<hbm>> -> memref<64x80xi32, #tpu.memory_space<hbm>>
      %dma_start3A_23 = arith.constant 0 : i32
      %dma_start3A_24 = arith.constant 0 : i32
      %dma_start3A_25 = tpu.memref_slice %arg3[%add3A, %dma_start3A_23, %dma_start3A_24] : memref<32x64x80xi32, #tpu.memory_space<hbm>> -> memref<1x64x80xi32, #tpu.memory_space<hbm>>
      %dma_start3A_26 = tpu.memref_squeeze %dma_start3A_25 : memref<1x64x80xi32, #tpu.memory_space<hbm>> -> memref<64x80xi32, #tpu.memory_space<hbm>>
      tpu.enqueue_dma source(%dma_start3A_26 : memref<64x80xi32, #tpu.memory_space<hbm>>) target(%arg9 : memref<64x80xi32, #tpu.memory_space<vmem>>) target_semaphore(%run_scoped3A : memref<!tpu.dma_semaphore, #tpu.memory_space<semaphore_mem>>)
      %dma_wait3A_27 = arith.constant 0 : i32
      %dma_wait3A_28 = arith.constant 0 : i32
      %dma_wait3A_29 = tpu.memref_slice %arg3[%add3A, %dma_wait3A_27, %dma_wait3A_28] : memref<32x64x80xi32, #tpu.memory_space<hbm>> -> memref<1x64x80xi32, #tpu.memory_space<hbm>>
      %dma_wait3A_30 = tpu.memref_squeeze %dma_wait3A_29 : memref<1x64x80xi32, #tpu.memory_space<hbm>> -> memref<64x80xi32, #tpu.memory_space<hbm>>
      %dma_wait3A_31 = arith.constant 0 : i32
      %dma_wait3A_32 = arith.constant 0 : i32
      %dma_wait3A_33 = tpu.memref_slice %arg3[%add3A, %dma_wait3A_31, %dma_wait3A_32] : memref<32x64x80xi32, #tpu.memory_space<hbm>> -> memref<1x64x80xi32, #tpu.memory_space<hbm>>
      %dma_wait3A_34 = tpu.memref_squeeze %dma_wait3A_33 : memref<1x64x80xi32, #tpu.memory_space<hbm>> -> memref<64x80xi32, #tpu.memory_space<hbm>>
      tpu.wait_dma2 semaphore(%run_scoped3A : memref<!tpu.dma_semaphore, #tpu.memory_space<semaphore_mem>>) src(%dma_wait3A_34 : memref<64x80xi32, #tpu.memory_space<hbm>>) dst(%arg9 : memref<64x80xi32, #tpu.memory_space<vmem>>)
      tpu.yield
    }) : () -> ()
    %barrier3A = arith.constant 0 : index
    tpu.barrier barrier_id(%barrier3A)
    %scan3A = arith.constant 0 : i32
    %scan3A_3 = arith.constant 0 : i32
    %scan3A_4 = arith.constant 32 : i32
    %scan3A_5 = arith.addi %scan3A_3, %scan3A_4 : i32
    %scan3A_6 = arith.constant 1 : i32
    scf.for %scan3A_20 = %scan3A_3 to %scan3A_5 step %scan3A_6  : i32 {
      %gt3A = arith.constant 0 : i32
      %gt3A_21 = arith.cmpi sgt, %scan3A_20, %gt3A : i32
      %convert_element_type3A = arith.extui %gt3A_21 : i1 to i32
      %cond3A = arith.constant 0 : i32
      %cond3A_22 = arith.cmpi ne, %convert_element_type3A, %cond3A : i32
      scf.if %cond3A_22 {
        %dma_wait3A_74 = arith.constant 0 : i32
        %dma_wait3A_75 = arith.constant 0 : i32
        %dma_wait3A_76 = tpu.memref_slice %arg5[%dma_wait3A_74, %dma_wait3A_75] : memref<640x128xf32, #tpu.memory_space<hbm>> -> memref<80x128xf32, #tpu.memory_space<hbm>>
        %dma_wait3A_77 = arith.constant 0 : i32
        %dma_wait3A_78 = arith.constant 0 : i32
        %dma_wait3A_79 = tpu.memref_slice %arg5[%dma_wait3A_77, %dma_wait3A_78] : memref<640x128xf32, #tpu.memory_space<hbm>> -> memref<80x128xf32, #tpu.memory_space<hbm>>
        tpu.wait_dma2 semaphore(%arg13 : memref<!tpu.dma_semaphore, #tpu.memory_space<semaphore_mem>>) src(%dma_wait3A_79 : memref<80x128xf32, #tpu.memory_space<hbm>>) dst(%arg10 : memref<80x128xf32, #tpu.memory_space<vmem>>)
        %dma_wait3A_80 = arith.constant 0 : i32
        %dma_wait3A_81 = arith.constant 0 : i32
        %dma_wait3A_82 = tpu.memref_slice %arg5[%dma_wait3A_80, %dma_wait3A_81] : memref<640x128xf32, #tpu.memory_space<hbm>> -> memref<80x128xf32, #tpu.memory_space<hbm>>
        %dma_wait3A_83 = arith.constant 0 : i32
        %dma_wait3A_84 = arith.constant 0 : i32
        %dma_wait3A_85 = tpu.memref_slice %arg5[%dma_wait3A_83, %dma_wait3A_84] : memref<640x128xf32, #tpu.memory_space<hbm>> -> memref<80x128xf32, #tpu.memory_space<hbm>>
        tpu.wait_dma2 semaphore(%arg13 : memref<!tpu.dma_semaphore, #tpu.memory_space<semaphore_mem>>) src(%dma_wait3A_85 : memref<80x128xf32, #tpu.memory_space<hbm>>) dst(%arg11 : memref<80x128xf32, #tpu.memory_space<vmem>>)
      } else {
      }
      %mul3A_23 = arith.constant 2 : i32
      %mul3A_24 = arith.muli %scan3A_20, %mul3A_23 : i32
      %add3A_25 = arith.constant 0 : i32
      %add3A_26 = arith.addi %mul3A_24, %add3A_25 : i32
      %dma_start3A = arith.constant 0 : i32
      %dma_start3A_27 = tpu.memref_slice %arg8[%add3A_26, %dma_start3A] : memref<64x80xi32, #tpu.memory_space<vmem>> -> memref<1x80xi32, #tpu.memory_space<vmem>>
      %dma_start3A_28 = tpu.memref_squeeze %dma_start3A_27 : memref<1x80xi32, #tpu.memory_space<vmem>> -> memref<80xi32, #tpu.memory_space<vmem>>
      %dma_start3A_29 = arith.constant 0 : i32
      %dma_start3A_30 = arith.constant 0 : i32
      %dma_start3A_31 = tpu.memref_slice %arg4[%dma_start3A_29, %dma_start3A_30] : memref<80000x128xf32, #tpu.memory_space<hbm>> -> memref<80000x128xf32, #tpu.memory_space<hbm>>
      tpu.enqueue_indirect_dma source(%dma_start3A_31 : memref<80000x128xf32, #tpu.memory_space<hbm>>) target(%arg10 : memref<80x128xf32, #tpu.memory_space<vmem>>) offsets(%dma_start3A_28 : memref<80xi32, #tpu.memory_space<vmem>>) semaphore(%arg12 : memref<!tpu.dma_semaphore, #tpu.memory_space<semaphore_mem>>)
      %mul3A_32 = arith.constant 2 : i32
      %mul3A_33 = arith.muli %scan3A_20, %mul3A_32 : i32
      %add3A_34 = arith.constant 1 : i32
      %add3A_35 = arith.addi %mul3A_33, %add3A_34 : i32
      %dma_start3A_36 = arith.constant 0 : i32
      %dma_start3A_37 = tpu.memref_slice %arg8[%add3A_35, %dma_start3A_36] : memref<64x80xi32, #tpu.memory_space<vmem>> -> memref<1x80xi32, #tpu.memory_space<vmem>>
      %dma_start3A_38 = tpu.memref_squeeze %dma_start3A_37 : memref<1x80xi32, #tpu.memory_space<vmem>> -> memref<80xi32, #tpu.memory_space<vmem>>
      %dma_start3A_39 = arith.constant 0 : i32
      %dma_start3A_40 = arith.constant 0 : i32
      %dma_start3A_41 = tpu.memref_slice %arg4[%dma_start3A_39, %dma_start3A_40] : memref<80000x128xf32, #tpu.memory_space<hbm>> -> memref<80000x128xf32, #tpu.memory_space<hbm>>
      tpu.enqueue_indirect_dma source(%dma_start3A_41 : memref<80000x128xf32, #tpu.memory_space<hbm>>) target(%arg11 : memref<80x128xf32, #tpu.memory_space<vmem>>) offsets(%dma_start3A_38 : memref<80xi32, #tpu.memory_space<vmem>>) semaphore(%arg12 : memref<!tpu.dma_semaphore, #tpu.memory_space<semaphore_mem>>)
      %dma_wait3A_42 = arith.constant 0 : i32
      %dma_wait3A_43 = tpu.memref_slice %arg8[%add3A_26, %dma_wait3A_42] : memref<64x80xi32, #tpu.memory_space<vmem>> -> memref<1x80xi32, #tpu.memory_space<vmem>>
      %dma_wait3A_44 = tpu.memref_squeeze %dma_wait3A_43 : memref<1x80xi32, #tpu.memory_space<vmem>> -> memref<80xi32, #tpu.memory_space<vmem>>
      %dma_wait3A_45 = arith.constant 0 : i32
      %dma_wait3A_46 = arith.constant 0 : i32
      %dma_wait3A_47 = tpu.memref_slice %arg4[%dma_wait3A_45, %dma_wait3A_46] : memref<80000x128xf32, #tpu.memory_space<hbm>> -> memref<80000x128xf32, #tpu.memory_space<hbm>>
      tpu.wait_indirect_dma semaphore(%arg12 : memref<!tpu.dma_semaphore, #tpu.memory_space<semaphore_mem>>) src(%dma_wait3A_47 : memref<80000x128xf32, #tpu.memory_space<hbm>>) dst(%arg10 : memref<80x128xf32, #tpu.memory_space<vmem>>)
      %dma_wait3A_48 = arith.constant 0 : i32
      %dma_wait3A_49 = tpu.memref_slice %arg8[%add3A_35, %dma_wait3A_48] : memref<64x80xi32, #tpu.memory_space<vmem>> -> memref<1x80xi32, #tpu.memory_space<vmem>>
      %dma_wait3A_50 = tpu.memref_squeeze %dma_wait3A_49 : memref<1x80xi32, #tpu.memory_space<vmem>> -> memref<80xi32, #tpu.memory_space<vmem>>
      %dma_wait3A_51 = arith.constant 0 : i32
      %dma_wait3A_52 = arith.constant 0 : i32
      %dma_wait3A_53 = tpu.memref_slice %arg4[%dma_wait3A_51, %dma_wait3A_52] : memref<80000x128xf32, #tpu.memory_space<hbm>> -> memref<80000x128xf32, #tpu.memory_space<hbm>>
      tpu.wait_indirect_dma semaphore(%arg12 : memref<!tpu.dma_semaphore, #tpu.memory_space<semaphore_mem>>) src(%dma_wait3A_53 : memref<80000x128xf32, #tpu.memory_space<hbm>>) dst(%arg11 : memref<80x128xf32, #tpu.memory_space<vmem>>)
      %mul3A_54 = arith.constant 2 : i32
      %mul3A_55 = arith.muli %scan3A_20, %mul3A_54 : i32
      %add3A_56 = arith.constant 0 : i32
      %add3A_57 = arith.addi %mul3A_55, %add3A_56 : i32
      %dma_start3A_58 = arith.constant 0 : i32
      %dma_start3A_59 = tpu.memref_slice %arg9[%add3A_57, %dma_start3A_58] : memref<64x80xi32, #tpu.memory_space<vmem>> -> memref<1x80xi32, #tpu.memory_space<vmem>>
      %dma_start3A_60 = tpu.memref_squeeze %dma_start3A_59 : memref<1x80xi32, #tpu.memory_space<vmem>> -> memref<80xi32, #tpu.memory_space<vmem>>
      %dma_start3A_61 = arith.constant 0 : i32
      %dma_start3A_62 = arith.constant 0 : i32
      %dma_start3A_63 = tpu.memref_slice %arg7[%dma_start3A_61, %dma_start3A_62] : memref<10240x128xf32, #tpu.memory_space<vmem_shared>> -> memref<10240x128xf32, #tpu.memory_space<vmem_shared>>
      tpu.enqueue_indirect_dma source(%arg10 : memref<80x128xf32, #tpu.memory_space<vmem>>) target(%dma_start3A_63 : memref<10240x128xf32, #tpu.memory_space<vmem_shared>>) offsets(%dma_start3A_60 : memref<80xi32, #tpu.memory_space<vmem>>) semaphore(%arg13 : memref<!tpu.dma_semaphore, #tpu.memory_space<semaphore_mem>>) {add = true}
      %mul3A_64 = arith.constant 2 : i32
      %mul3A_65 = arith.muli %scan3A_20, %mul3A_64 : i32
      %add3A_66 = arith.constant 1 : i32
      %add3A_67 = arith.addi %mul3A_65, %add3A_66 : i32
      %dma_start3A_68 = arith.constant 0 : i32
      %dma_start3A_69 = tpu.memref_slice %arg9[%add3A_67, %dma_start3A_68] : memref<64x80xi32, #tpu.memory_space<vmem>> -> memref<1x80xi32, #tpu.memory_space<vmem>>
      %dma_start3A_70 = tpu.memref_squeeze %dma_start3A_69 : memref<1x80xi32, #tpu.memory_space<vmem>> -> memref<80xi32, #tpu.memory_space<vmem>>
      %dma_start3A_71 = arith.constant 0 : i32
      %dma_start3A_72 = arith.constant 0 : i32
      %dma_start3A_73 = tpu.memref_slice %arg7[%dma_start3A_71, %dma_start3A_72] : memref<10240x128xf32, #tpu.memory_space<vmem_shared>> -> memref<10240x128xf32, #tpu.memory_space<vmem_shared>>
      tpu.enqueue_indirect_dma source(%arg11 : memref<80x128xf32, #tpu.memory_space<vmem>>) target(%dma_start3A_73 : memref<10240x128xf32, #tpu.memory_space<vmem_shared>>) offsets(%dma_start3A_70 : memref<80xi32, #tpu.memory_space<vmem>>) semaphore(%arg13 : memref<!tpu.dma_semaphore, #tpu.memory_space<semaphore_mem>>) {add = true}
    }
    %scan3A_7 = arith.constant 32 : i32
    %dma_wait3A = arith.constant 0 : i32
    %dma_wait3A_8 = arith.constant 0 : i32
    %dma_wait3A_9 = tpu.memref_slice %arg5[%dma_wait3A, %dma_wait3A_8] : memref<640x128xf32, #tpu.memory_space<hbm>> -> memref<80x128xf32, #tpu.memory_space<hbm>>
    %dma_wait3A_10 = arith.constant 0 : i32
    %dma_wait3A_11 = arith.constant 0 : i32
    %dma_wait3A_12 = tpu.memref_slice %arg5[%dma_wait3A_10, %dma_wait3A_11] : memref<640x128xf32, #tpu.memory_space<hbm>> -> memref<80x128xf32, #tpu.memory_space<hbm>>
    tpu.wait_dma2 semaphore(%arg13 : memref<!tpu.dma_semaphore, #tpu.memory_space<semaphore_mem>>) src(%dma_wait3A_12 : memref<80x128xf32, #tpu.memory_space<hbm>>) dst(%arg10 : memref<80x128xf32, #tpu.memory_space<vmem>>)
    %dma_wait3A_13 = arith.constant 0 : i32
    %dma_wait3A_14 = arith.constant 0 : i32
    %dma_wait3A_15 = tpu.memref_slice %arg5[%dma_wait3A_13, %dma_wait3A_14] : memref<640x128xf32, #tpu.memory_space<hbm>> -> memref<80x128xf32, #tpu.memory_space<hbm>>
    %dma_wait3A_16 = arith.constant 0 : i32
    %dma_wait3A_17 = arith.constant 0 : i32
    %dma_wait3A_18 = tpu.memref_slice %arg5[%dma_wait3A_16, %dma_wait3A_17] : memref<640x128xf32, #tpu.memory_space<hbm>> -> memref<80x128xf32, #tpu.memory_space<hbm>>
    tpu.wait_dma2 semaphore(%arg13 : memref<!tpu.dma_semaphore, #tpu.memory_space<semaphore_mem>>) src(%dma_wait3A_18 : memref<80x128xf32, #tpu.memory_space<hbm>>) dst(%arg11 : memref<80x128xf32, #tpu.memory_space<vmem>>)
    %barrier3A_19 = arith.constant 0 : index
    tpu.barrier barrier_id(%barrier3A_19)
    "tpu.region"() ({
      %run_scoped3A = tpu.sem_alloc : memref<!tpu.dma_semaphore, #tpu.memory_space<semaphore_mem>>
      %dma_start3A = arith.constant 0 : i32
      %dma_start3A_20 = tpu.memref_slice %arg6[%arg0, %mul3A_2, %dma_start3A] : memref<2x10240x128xf32, #tpu.memory_space<hbm>> -> memref<1x640x128xf32, #tpu.memory_space<hbm>>
      %dma_start3A_21 = tpu.memref_squeeze %dma_start3A_20 : memref<1x640x128xf32, #tpu.memory_space<hbm>> -> memref<640x128xf32, #tpu.memory_space<hbm>>
      %dma_start3A_22 = arith.constant 0 : i32
      %dma_start3A_23 = tpu.memref_slice %arg7[%mul3A_2, %dma_start3A_22] : memref<10240x128xf32, #tpu.memory_space<vmem_shared>> -> memref<640x128xf32, #tpu.memory_space<vmem_shared>>
      tpu.enqueue_dma source(%dma_start3A_23 : memref<640x128xf32, #tpu.memory_space<vmem_shared>>) target(%dma_start3A_21 : memref<640x128xf32, #tpu.memory_space<hbm>>) target_semaphore(%run_scoped3A : memref<!tpu.dma_semaphore, #tpu.memory_space<semaphore_mem>>)
      %dma_wait3A_24 = arith.constant 0 : i32
      %dma_wait3A_25 = tpu.memref_slice %arg6[%arg0, %mul3A_2, %dma_wait3A_24] : memref<2x10240x128xf32, #tpu.memory_space<hbm>> -> memref<1x640x128xf32, #tpu.memory_space<hbm>>
      %dma_wait3A_26 = tpu.memref_squeeze %dma_wait3A_25 : memref<1x640x128xf32, #tpu.memory_space<hbm>> -> memref<640x128xf32, #tpu.memory_space<hbm>>
      %dma_wait3A_27 = arith.constant 0 : i32
      %dma_wait3A_28 = tpu.memref_slice %arg7[%mul3A_2, %dma_wait3A_27] : memref<10240x128xf32, #tpu.memory_space<vmem_shared>> -> memref<640x128xf32, #tpu.memory_space<vmem_shared>>
      tpu.wait_dma2 semaphore(%run_scoped3A : memref<!tpu.dma_semaphore, #tpu.memory_space<semaphore_mem>>) src(%dma_wait3A_28 : memref<640x128xf32, #tpu.memory_space<vmem_shared>>) dst(%dma_wait3A_26 : memref<640x128xf32, #tpu.memory_space<hbm>>)
      tpu.yield
    }) : () -> ()
    return
  }
}

#map = affine_map<(d0, d1) -> (0, 0, 0)>
#map1 = affine_map<(d0, d1) -> (0, 0)>
module attributes {stable_mosaic.version = 14 : i64} {
  func.func @_sc_deg_body(%arg0: i32, %arg1: i32, %arg2: memref<32x64x80xi32, #tpu.memory_space<hbm>>, %arg3: memref<32x64x80xi32, #tpu.memory_space<hbm>>, %arg4: memref<8x128xf32, #tpu.memory_space<hbm>>, %arg5: memref<640x128xf32, #tpu.memory_space<hbm>>, %arg6: memref<2x1280x128xf32, #tpu.memory_space<hbm>>, %arg7: memref<1280x128xf32, #tpu.memory_space<vmem_shared>>, %arg8: memref<64x80xi32, #tpu.memory_space<vmem>>, %arg9: memref<64x80xi32, #tpu.memory_space<vmem>>, %arg10: memref<80x128xf32, #tpu.memory_space<vmem>>, %arg11: memref<80x128xf32, #tpu.memory_space<vmem>>, %arg12: memref<!tpu.dma_semaphore, #tpu.memory_space<semaphore_mem>>, %arg13: memref<!tpu.dma_semaphore, #tpu.memory_space<semaphore_mem>>) attributes {dimension_semantics = [#tpu.dimension_semantics<core_parallel>, #tpu.dimension_semantics<subcore_parallel>], iteration_bounds = array<i64: 2, 16>, scalar_prefetch = 0 : i64, scratch_operands = 7 : i64, tpu.core_type = #tpu.core_type<sc_vector_subcore>, window_params = [{transform_indices = #map}, {transform_indices = #map}, {transform_indices = #map1}, {transform_indices = #map1}, {transform_indices = #map}]} {
    %mul3A = arith.constant 16 : i32
    %mul3A_0 = arith.muli %arg0, %mul3A : i32
    %add3A = arith.addi %mul3A_0, %arg1 : i32
    %mul3A_1 = arith.constant 80 : i32
    %mul3A_2 = arith.muli %arg1, %mul3A_1 : i32
    "tpu.region"() ({
      %run_scoped3A = tpu.sem_alloc : memref<!tpu.dma_semaphore, #tpu.memory_space<semaphore_mem>>
      %dma_start3A = arith.constant 0 : i32
      %dma_start3A_20 = tpu.memref_slice %arg7[%mul3A_2, %dma_start3A] : memref<1280x128xf32, #tpu.memory_space<vmem_shared>> -> memref<80x128xf32, #tpu.memory_space<vmem_shared>>
      %dma_start3A_21 = arith.constant 0 : i32
      %dma_start3A_22 = arith.constant 0 : i32
      %dma_start3A_23 = tpu.memref_slice %arg5[%dma_start3A_21, %dma_start3A_22] : memref<640x128xf32, #tpu.memory_space<hbm>> -> memref<80x128xf32, #tpu.memory_space<hbm>>
      tpu.enqueue_dma source(%dma_start3A_23 : memref<80x128xf32, #tpu.memory_space<hbm>>) target(%dma_start3A_20 : memref<80x128xf32, #tpu.memory_space<vmem_shared>>) target_semaphore(%run_scoped3A : memref<!tpu.dma_semaphore, #tpu.memory_space<semaphore_mem>>)
      %dma_wait3A_24 = arith.constant 0 : i32
      %dma_wait3A_25 = tpu.memref_slice %arg7[%mul3A_2, %dma_wait3A_24] : memref<1280x128xf32, #tpu.memory_space<vmem_shared>> -> memref<80x128xf32, #tpu.memory_space<vmem_shared>>
      %dma_wait3A_26 = arith.constant 0 : i32
      %dma_wait3A_27 = arith.constant 0 : i32
      %dma_wait3A_28 = tpu.memref_slice %arg5[%dma_wait3A_26, %dma_wait3A_27] : memref<640x128xf32, #tpu.memory_space<hbm>> -> memref<80x128xf32, #tpu.memory_space<hbm>>
      tpu.wait_dma2 semaphore(%run_scoped3A : memref<!tpu.dma_semaphore, #tpu.memory_space<semaphore_mem>>) src(%dma_wait3A_28 : memref<80x128xf32, #tpu.memory_space<hbm>>) dst(%dma_wait3A_25 : memref<80x128xf32, #tpu.memory_space<vmem_shared>>)
      tpu.yield
    }) : () -> ()
    "tpu.region"() ({
      %run_scoped3A = tpu.sem_alloc : memref<!tpu.dma_semaphore, #tpu.memory_space<semaphore_mem>>
      %dma_start3A = arith.constant 0 : i32
      %dma_start3A_20 = arith.constant 0 : i32
      %dma_start3A_21 = tpu.memref_slice %arg2[%add3A, %dma_start3A, %dma_start3A_20] : memref<32x64x80xi32, #tpu.memory_space<hbm>> -> memref<1x64x80xi32, #tpu.memory_space<hbm>>
      %dma_start3A_22 = tpu.memref_squeeze %dma_start3A_21 : memref<1x64x80xi32, #tpu.memory_space<hbm>> -> memref<64x80xi32, #tpu.memory_space<hbm>>
      %dma_start3A_23 = arith.constant 0 : i32
      %dma_start3A_24 = arith.constant 0 : i32
      %dma_start3A_25 = tpu.memref_slice %arg2[%add3A, %dma_start3A_23, %dma_start3A_24] : memref<32x64x80xi32, #tpu.memory_space<hbm>> -> memref<1x64x80xi32, #tpu.memory_space<hbm>>
      %dma_start3A_26 = tpu.memref_squeeze %dma_start3A_25 : memref<1x64x80xi32, #tpu.memory_space<hbm>> -> memref<64x80xi32, #tpu.memory_space<hbm>>
      tpu.enqueue_dma source(%dma_start3A_26 : memref<64x80xi32, #tpu.memory_space<hbm>>) target(%arg8 : memref<64x80xi32, #tpu.memory_space<vmem>>) target_semaphore(%run_scoped3A : memref<!tpu.dma_semaphore, #tpu.memory_space<semaphore_mem>>)
      %dma_wait3A_27 = arith.constant 0 : i32
      %dma_wait3A_28 = arith.constant 0 : i32
      %dma_wait3A_29 = tpu.memref_slice %arg2[%add3A, %dma_wait3A_27, %dma_wait3A_28] : memref<32x64x80xi32, #tpu.memory_space<hbm>> -> memref<1x64x80xi32, #tpu.memory_space<hbm>>
      %dma_wait3A_30 = tpu.memref_squeeze %dma_wait3A_29 : memref<1x64x80xi32, #tpu.memory_space<hbm>> -> memref<64x80xi32, #tpu.memory_space<hbm>>
      %dma_wait3A_31 = arith.constant 0 : i32
      %dma_wait3A_32 = arith.constant 0 : i32
      %dma_wait3A_33 = tpu.memref_slice %arg2[%add3A, %dma_wait3A_31, %dma_wait3A_32] : memref<32x64x80xi32, #tpu.memory_space<hbm>> -> memref<1x64x80xi32, #tpu.memory_space<hbm>>
      %dma_wait3A_34 = tpu.memref_squeeze %dma_wait3A_33 : memref<1x64x80xi32, #tpu.memory_space<hbm>> -> memref<64x80xi32, #tpu.memory_space<hbm>>
      tpu.wait_dma2 semaphore(%run_scoped3A : memref<!tpu.dma_semaphore, #tpu.memory_space<semaphore_mem>>) src(%dma_wait3A_34 : memref<64x80xi32, #tpu.memory_space<hbm>>) dst(%arg8 : memref<64x80xi32, #tpu.memory_space<vmem>>)
      tpu.yield
    }) : () -> ()
    "tpu.region"() ({
      %run_scoped3A = tpu.sem_alloc : memref<!tpu.dma_semaphore, #tpu.memory_space<semaphore_mem>>
      %dma_start3A = arith.constant 0 : i32
      %dma_start3A_20 = arith.constant 0 : i32
      %dma_start3A_21 = tpu.memref_slice %arg3[%add3A, %dma_start3A, %dma_start3A_20] : memref<32x64x80xi32, #tpu.memory_space<hbm>> -> memref<1x64x80xi32, #tpu.memory_space<hbm>>
      %dma_start3A_22 = tpu.memref_squeeze %dma_start3A_21 : memref<1x64x80xi32, #tpu.memory_space<hbm>> -> memref<64x80xi32, #tpu.memory_space<hbm>>
      %dma_start3A_23 = arith.constant 0 : i32
      %dma_start3A_24 = arith.constant 0 : i32
      %dma_start3A_25 = tpu.memref_slice %arg3[%add3A, %dma_start3A_23, %dma_start3A_24] : memref<32x64x80xi32, #tpu.memory_space<hbm>> -> memref<1x64x80xi32, #tpu.memory_space<hbm>>
      %dma_start3A_26 = tpu.memref_squeeze %dma_start3A_25 : memref<1x64x80xi32, #tpu.memory_space<hbm>> -> memref<64x80xi32, #tpu.memory_space<hbm>>
      tpu.enqueue_dma source(%dma_start3A_26 : memref<64x80xi32, #tpu.memory_space<hbm>>) target(%arg9 : memref<64x80xi32, #tpu.memory_space<vmem>>) target_semaphore(%run_scoped3A : memref<!tpu.dma_semaphore, #tpu.memory_space<semaphore_mem>>)
      %dma_wait3A_27 = arith.constant 0 : i32
      %dma_wait3A_28 = arith.constant 0 : i32
      %dma_wait3A_29 = tpu.memref_slice %arg3[%add3A, %dma_wait3A_27, %dma_wait3A_28] : memref<32x64x80xi32, #tpu.memory_space<hbm>> -> memref<1x64x80xi32, #tpu.memory_space<hbm>>
      %dma_wait3A_30 = tpu.memref_squeeze %dma_wait3A_29 : memref<1x64x80xi32, #tpu.memory_space<hbm>> -> memref<64x80xi32, #tpu.memory_space<hbm>>
      %dma_wait3A_31 = arith.constant 0 : i32
      %dma_wait3A_32 = arith.constant 0 : i32
      %dma_wait3A_33 = tpu.memref_slice %arg3[%add3A, %dma_wait3A_31, %dma_wait3A_32] : memref<32x64x80xi32, #tpu.memory_space<hbm>> -> memref<1x64x80xi32, #tpu.memory_space<hbm>>
      %dma_wait3A_34 = tpu.memref_squeeze %dma_wait3A_33 : memref<1x64x80xi32, #tpu.memory_space<hbm>> -> memref<64x80xi32, #tpu.memory_space<hbm>>
      tpu.wait_dma2 semaphore(%run_scoped3A : memref<!tpu.dma_semaphore, #tpu.memory_space<semaphore_mem>>) src(%dma_wait3A_34 : memref<64x80xi32, #tpu.memory_space<hbm>>) dst(%arg9 : memref<64x80xi32, #tpu.memory_space<vmem>>)
      tpu.yield
    }) : () -> ()
    %barrier3A = arith.constant 0 : index
    tpu.barrier barrier_id(%barrier3A)
    %scan3A = arith.constant 0 : i32
    %scan3A_3 = arith.constant 0 : i32
    %scan3A_4 = arith.constant 32 : i32
    %scan3A_5 = arith.addi %scan3A_3, %scan3A_4 : i32
    %scan3A_6 = arith.constant 1 : i32
    scf.for %scan3A_20 = %scan3A_3 to %scan3A_5 step %scan3A_6  : i32 {
      %gt3A = arith.constant 0 : i32
      %gt3A_21 = arith.cmpi sgt, %scan3A_20, %gt3A : i32
      %convert_element_type3A = arith.extui %gt3A_21 : i1 to i32
      %cond3A = arith.constant 0 : i32
      %cond3A_22 = arith.cmpi ne, %convert_element_type3A, %cond3A : i32
      scf.if %cond3A_22 {
        %dma_wait3A_74 = arith.constant 0 : i32
        %dma_wait3A_75 = arith.constant 0 : i32
        %dma_wait3A_76 = tpu.memref_slice %arg5[%dma_wait3A_74, %dma_wait3A_75] : memref<640x128xf32, #tpu.memory_space<hbm>> -> memref<80x128xf32, #tpu.memory_space<hbm>>
        %dma_wait3A_77 = arith.constant 0 : i32
        %dma_wait3A_78 = arith.constant 0 : i32
        %dma_wait3A_79 = tpu.memref_slice %arg5[%dma_wait3A_77, %dma_wait3A_78] : memref<640x128xf32, #tpu.memory_space<hbm>> -> memref<80x128xf32, #tpu.memory_space<hbm>>
        tpu.wait_dma2 semaphore(%arg13 : memref<!tpu.dma_semaphore, #tpu.memory_space<semaphore_mem>>) src(%dma_wait3A_79 : memref<80x128xf32, #tpu.memory_space<hbm>>) dst(%arg10 : memref<80x128xf32, #tpu.memory_space<vmem>>)
        %dma_wait3A_80 = arith.constant 0 : i32
        %dma_wait3A_81 = arith.constant 0 : i32
        %dma_wait3A_82 = tpu.memref_slice %arg5[%dma_wait3A_80, %dma_wait3A_81] : memref<640x128xf32, #tpu.memory_space<hbm>> -> memref<80x128xf32, #tpu.memory_space<hbm>>
        %dma_wait3A_83 = arith.constant 0 : i32
        %dma_wait3A_84 = arith.constant 0 : i32
        %dma_wait3A_85 = tpu.memref_slice %arg5[%dma_wait3A_83, %dma_wait3A_84] : memref<640x128xf32, #tpu.memory_space<hbm>> -> memref<80x128xf32, #tpu.memory_space<hbm>>
        tpu.wait_dma2 semaphore(%arg13 : memref<!tpu.dma_semaphore, #tpu.memory_space<semaphore_mem>>) src(%dma_wait3A_85 : memref<80x128xf32, #tpu.memory_space<hbm>>) dst(%arg11 : memref<80x128xf32, #tpu.memory_space<vmem>>)
      } else {
      }
      %mul3A_23 = arith.constant 2 : i32
      %mul3A_24 = arith.muli %scan3A_20, %mul3A_23 : i32
      %add3A_25 = arith.constant 0 : i32
      %add3A_26 = arith.addi %mul3A_24, %add3A_25 : i32
      %dma_start3A = arith.constant 0 : i32
      %dma_start3A_27 = tpu.memref_slice %arg8[%add3A_26, %dma_start3A] : memref<64x80xi32, #tpu.memory_space<vmem>> -> memref<1x80xi32, #tpu.memory_space<vmem>>
      %dma_start3A_28 = tpu.memref_squeeze %dma_start3A_27 : memref<1x80xi32, #tpu.memory_space<vmem>> -> memref<80xi32, #tpu.memory_space<vmem>>
      %dma_start3A_29 = arith.constant 0 : i32
      %dma_start3A_30 = arith.constant 0 : i32
      %dma_start3A_31 = tpu.memref_slice %arg4[%dma_start3A_29, %dma_start3A_30] : memref<8x128xf32, #tpu.memory_space<hbm>> -> memref<8x128xf32, #tpu.memory_space<hbm>>
      tpu.enqueue_indirect_dma source(%dma_start3A_31 : memref<8x128xf32, #tpu.memory_space<hbm>>) target(%arg10 : memref<80x128xf32, #tpu.memory_space<vmem>>) offsets(%dma_start3A_28 : memref<80xi32, #tpu.memory_space<vmem>>) semaphore(%arg12 : memref<!tpu.dma_semaphore, #tpu.memory_space<semaphore_mem>>)
      %mul3A_32 = arith.constant 2 : i32
      %mul3A_33 = arith.muli %scan3A_20, %mul3A_32 : i32
      %add3A_34 = arith.constant 1 : i32
      %add3A_35 = arith.addi %mul3A_33, %add3A_34 : i32
      %dma_start3A_36 = arith.constant 0 : i32
      %dma_start3A_37 = tpu.memref_slice %arg8[%add3A_35, %dma_start3A_36] : memref<64x80xi32, #tpu.memory_space<vmem>> -> memref<1x80xi32, #tpu.memory_space<vmem>>
      %dma_start3A_38 = tpu.memref_squeeze %dma_start3A_37 : memref<1x80xi32, #tpu.memory_space<vmem>> -> memref<80xi32, #tpu.memory_space<vmem>>
      %dma_start3A_39 = arith.constant 0 : i32
      %dma_start3A_40 = arith.constant 0 : i32
      %dma_start3A_41 = tpu.memref_slice %arg4[%dma_start3A_39, %dma_start3A_40] : memref<8x128xf32, #tpu.memory_space<hbm>> -> memref<8x128xf32, #tpu.memory_space<hbm>>
      tpu.enqueue_indirect_dma source(%dma_start3A_41 : memref<8x128xf32, #tpu.memory_space<hbm>>) target(%arg11 : memref<80x128xf32, #tpu.memory_space<vmem>>) offsets(%dma_start3A_38 : memref<80xi32, #tpu.memory_space<vmem>>) semaphore(%arg12 : memref<!tpu.dma_semaphore, #tpu.memory_space<semaphore_mem>>)
      %dma_wait3A_42 = arith.constant 0 : i32
      %dma_wait3A_43 = tpu.memref_slice %arg8[%add3A_26, %dma_wait3A_42] : memref<64x80xi32, #tpu.memory_space<vmem>> -> memref<1x80xi32, #tpu.memory_space<vmem>>
      %dma_wait3A_44 = tpu.memref_squeeze %dma_wait3A_43 : memref<1x80xi32, #tpu.memory_space<vmem>> -> memref<80xi32, #tpu.memory_space<vmem>>
      %dma_wait3A_45 = arith.constant 0 : i32
      %dma_wait3A_46 = arith.constant 0 : i32
      %dma_wait3A_47 = tpu.memref_slice %arg4[%dma_wait3A_45, %dma_wait3A_46] : memref<8x128xf32, #tpu.memory_space<hbm>> -> memref<8x128xf32, #tpu.memory_space<hbm>>
      tpu.wait_indirect_dma semaphore(%arg12 : memref<!tpu.dma_semaphore, #tpu.memory_space<semaphore_mem>>) src(%dma_wait3A_47 : memref<8x128xf32, #tpu.memory_space<hbm>>) dst(%arg10 : memref<80x128xf32, #tpu.memory_space<vmem>>)
      %dma_wait3A_48 = arith.constant 0 : i32
      %dma_wait3A_49 = tpu.memref_slice %arg8[%add3A_35, %dma_wait3A_48] : memref<64x80xi32, #tpu.memory_space<vmem>> -> memref<1x80xi32, #tpu.memory_space<vmem>>
      %dma_wait3A_50 = tpu.memref_squeeze %dma_wait3A_49 : memref<1x80xi32, #tpu.memory_space<vmem>> -> memref<80xi32, #tpu.memory_space<vmem>>
      %dma_wait3A_51 = arith.constant 0 : i32
      %dma_wait3A_52 = arith.constant 0 : i32
      %dma_wait3A_53 = tpu.memref_slice %arg4[%dma_wait3A_51, %dma_wait3A_52] : memref<8x128xf32, #tpu.memory_space<hbm>> -> memref<8x128xf32, #tpu.memory_space<hbm>>
      tpu.wait_indirect_dma semaphore(%arg12 : memref<!tpu.dma_semaphore, #tpu.memory_space<semaphore_mem>>) src(%dma_wait3A_53 : memref<8x128xf32, #tpu.memory_space<hbm>>) dst(%arg11 : memref<80x128xf32, #tpu.memory_space<vmem>>)
      %mul3A_54 = arith.constant 2 : i32
      %mul3A_55 = arith.muli %scan3A_20, %mul3A_54 : i32
      %add3A_56 = arith.constant 0 : i32
      %add3A_57 = arith.addi %mul3A_55, %add3A_56 : i32
      %dma_start3A_58 = arith.constant 0 : i32
      %dma_start3A_59 = tpu.memref_slice %arg9[%add3A_57, %dma_start3A_58] : memref<64x80xi32, #tpu.memory_space<vmem>> -> memref<1x80xi32, #tpu.memory_space<vmem>>
      %dma_start3A_60 = tpu.memref_squeeze %dma_start3A_59 : memref<1x80xi32, #tpu.memory_space<vmem>> -> memref<80xi32, #tpu.memory_space<vmem>>
      %dma_start3A_61 = arith.constant 0 : i32
      %dma_start3A_62 = arith.constant 0 : i32
      %dma_start3A_63 = tpu.memref_slice %arg7[%dma_start3A_61, %dma_start3A_62] : memref<1280x128xf32, #tpu.memory_space<vmem_shared>> -> memref<1280x128xf32, #tpu.memory_space<vmem_shared>>
      tpu.enqueue_indirect_dma source(%arg10 : memref<80x128xf32, #tpu.memory_space<vmem>>) target(%dma_start3A_63 : memref<1280x128xf32, #tpu.memory_space<vmem_shared>>) offsets(%dma_start3A_60 : memref<80xi32, #tpu.memory_space<vmem>>) semaphore(%arg13 : memref<!tpu.dma_semaphore, #tpu.memory_space<semaphore_mem>>) {add = true}
      %mul3A_64 = arith.constant 2 : i32
      %mul3A_65 = arith.muli %scan3A_20, %mul3A_64 : i32
      %add3A_66 = arith.constant 1 : i32
      %add3A_67 = arith.addi %mul3A_65, %add3A_66 : i32
      %dma_start3A_68 = arith.constant 0 : i32
      %dma_start3A_69 = tpu.memref_slice %arg9[%add3A_67, %dma_start3A_68] : memref<64x80xi32, #tpu.memory_space<vmem>> -> memref<1x80xi32, #tpu.memory_space<vmem>>
      %dma_start3A_70 = tpu.memref_squeeze %dma_start3A_69 : memref<1x80xi32, #tpu.memory_space<vmem>> -> memref<80xi32, #tpu.memory_space<vmem>>
      %dma_start3A_71 = arith.constant 0 : i32
      %dma_start3A_72 = arith.constant 0 : i32
      %dma_start3A_73 = tpu.memref_slice %arg7[%dma_start3A_71, %dma_start3A_72] : memref<1280x128xf32, #tpu.memory_space<vmem_shared>> -> memref<1280x128xf32, #tpu.memory_space<vmem_shared>>
      tpu.enqueue_indirect_dma source(%arg11 : memref<80x128xf32, #tpu.memory_space<vmem>>) target(%dma_start3A_73 : memref<1280x128xf32, #tpu.memory_space<vmem_shared>>) offsets(%dma_start3A_70 : memref<80xi32, #tpu.memory_space<vmem>>) semaphore(%arg13 : memref<!tpu.dma_semaphore, #tpu.memory_space<semaphore_mem>>) {add = true}
    }
    %scan3A_7 = arith.constant 32 : i32
    %dma_wait3A = arith.constant 0 : i32
    %dma_wait3A_8 = arith.constant 0 : i32
    %dma_wait3A_9 = tpu.memref_slice %arg5[%dma_wait3A, %dma_wait3A_8] : memref<640x128xf32, #tpu.memory_space<hbm>> -> memref<80x128xf32, #tpu.memory_space<hbm>>
    %dma_wait3A_10 = arith.constant 0 : i32
    %dma_wait3A_11 = arith.constant 0 : i32
    %dma_wait3A_12 = tpu.memref_slice %arg5[%dma_wait3A_10, %dma_wait3A_11] : memref<640x128xf32, #tpu.memory_space<hbm>> -> memref<80x128xf32, #tpu.memory_space<hbm>>
    tpu.wait_dma2 semaphore(%arg13 : memref<!tpu.dma_semaphore, #tpu.memory_space<semaphore_mem>>) src(%dma_wait3A_12 : memref<80x128xf32, #tpu.memory_space<hbm>>) dst(%arg10 : memref<80x128xf32, #tpu.memory_space<vmem>>)
    %dma_wait3A_13 = arith.constant 0 : i32
    %dma_wait3A_14 = arith.constant 0 : i32
    %dma_wait3A_15 = tpu.memref_slice %arg5[%dma_wait3A_13, %dma_wait3A_14] : memref<640x128xf32, #tpu.memory_space<hbm>> -> memref<80x128xf32, #tpu.memory_space<hbm>>
    %dma_wait3A_16 = arith.constant 0 : i32
    %dma_wait3A_17 = arith.constant 0 : i32
    %dma_wait3A_18 = tpu.memref_slice %arg5[%dma_wait3A_16, %dma_wait3A_17] : memref<640x128xf32, #tpu.memory_space<hbm>> -> memref<80x128xf32, #tpu.memory_space<hbm>>
    tpu.wait_dma2 semaphore(%arg13 : memref<!tpu.dma_semaphore, #tpu.memory_space<semaphore_mem>>) src(%dma_wait3A_18 : memref<80x128xf32, #tpu.memory_space<hbm>>) dst(%arg11 : memref<80x128xf32, #tpu.memory_space<vmem>>)
    %barrier3A_19 = arith.constant 0 : index
    tpu.barrier barrier_id(%barrier3A_19)
    "tpu.region"() ({
      %run_scoped3A = tpu.sem_alloc : memref<!tpu.dma_semaphore, #tpu.memory_space<semaphore_mem>>
      %dma_start3A = arith.constant 0 : i32
      %dma_start3A_20 = tpu.memref_slice %arg6[%arg0, %mul3A_2, %dma_start3A] : memref<2x1280x128xf32, #tpu.memory_space<hbm>> -> memref<1x80x128xf32, #tpu.memory_space<hbm>>
      %dma_start3A_21 = tpu.memref_squeeze %dma_start3A_20 : memref<1x80x128xf32, #tpu.memory_space<hbm>> -> memref<80x128xf32, #tpu.memory_space<hbm>>
      %dma_start3A_22 = arith.constant 0 : i32
      %dma_start3A_23 = tpu.memref_slice %arg7[%mul3A_2, %dma_start3A_22] : memref<1280x128xf32, #tpu.memory_space<vmem_shared>> -> memref<80x128xf32, #tpu.memory_space<vmem_shared>>
      tpu.enqueue_dma source(%dma_start3A_23 : memref<80x128xf32, #tpu.memory_space<vmem_shared>>) target(%dma_start3A_21 : memref<80x128xf32, #tpu.memory_space<hbm>>) target_semaphore(%run_scoped3A : memref<!tpu.dma_semaphore, #tpu.memory_space<semaphore_mem>>)
      %dma_wait3A_24 = arith.constant 0 : i32
      %dma_wait3A_25 = tpu.memref_slice %arg6[%arg0, %mul3A_2, %dma_wait3A_24] : memref<2x1280x128xf32, #tpu.memory_space<hbm>> -> memref<1x80x128xf32, #tpu.memory_space<hbm>>
      %dma_wait3A_26 = tpu.memref_squeeze %dma_wait3A_25 : memref<1x80x128xf32, #tpu.memory_space<hbm>> -> memref<80x128xf32, #tpu.memory_space<hbm>>
      %dma_wait3A_27 = arith.constant 0 : i32
      %dma_wait3A_28 = tpu.memref_slice %arg7[%mul3A_2, %dma_wait3A_27] : memref<1280x128xf32, #tpu.memory_space<vmem_shared>> -> memref<80x128xf32, #tpu.memory_space<vmem_shared>>
      tpu.wait_dma2 semaphore(%run_scoped3A : memref<!tpu.dma_semaphore, #tpu.memory_space<semaphore_mem>>) src(%dma_wait3A_28 : memref<80x128xf32, #tpu.memory_space<vmem_shared>>) dst(%dma_wait3A_26 : memref<80x128xf32, #tpu.memory_space<hbm>>)
      tpu.yield
    }) : () -> ()
    return
  }
}

module attributes {stable_mosaic.version = 14 : i64} {
  func.func @_gidx_body(%arg0: memref<32x64x80xi32, #tpu.memory_space<vmem>>, %arg1: memref<32x64x80xi32, #tpu.memory_space<vmem>>, %arg2: memref<32x64x80xi32, #tpu.memory_space<vmem>>, %arg3: memref<32x64x80xi32, #tpu.memory_space<vmem>>, %arg4: memref<32x64x80xi32, #tpu.memory_space<vmem>>, %arg5: memref<32x64x80xi32, #tpu.memory_space<vmem>>) attributes {dimension_semantics = [], scalar_prefetch = 0 : i64, scratch_operands = 0 : i64, tpu.core_type = #tpu.core_type<tc>} {
    %get3A = arith.constant 0 : index
    %get3A_0 = arith.constant 0 : index
    %get3A_1 = arith.constant 0 : index
    %get3A_2 = vector.load %arg1[%get3A, %get3A_0, %get3A_1] : memref<32x64x80xi32, #tpu.memory_space<vmem>>, vector<32x64x80xi32>
    %mul3A = arith.constant 10000 : i32
    %mul3A_3 = vector.broadcast %mul3A : i32 to vector<32x64x80xi32>
    %mul3A_4 = arith.muli %get3A_2, %mul3A_3 : vector<32x64x80xi32>
    %get3A_5 = arith.constant 0 : index
    %get3A_6 = arith.constant 0 : index
    %get3A_7 = arith.constant 0 : index
    %get3A_8 = vector.load %arg0[%get3A_5, %get3A_6, %get3A_7] : memref<32x64x80xi32, #tpu.memory_space<vmem>>, vector<32x64x80xi32>
    %add3A = arith.addi %mul3A_4, %get3A_8 : vector<32x64x80xi32>
    %swap3A = arith.constant 0 : index
    %swap3A_9 = arith.constant 0 : index
    %swap3A_10 = arith.constant 0 : index
    %swap3A_11 = vector.load %arg3[%swap3A, %swap3A_9, %swap3A_10] : memref<32x64x80xi32, #tpu.memory_space<vmem>>, vector<32x64x80xi32>
    tpu.vector_store %arg3[%swap3A, %swap3A_9, %swap3A_10], %add3A {strides = array<i32>} : memref<32x64x80xi32, #tpu.memory_space<vmem>>, vector<32x64x80xi32>,
    %get3A_12 = arith.constant 0 : index
    %get3A_13 = arith.constant 0 : index
    %get3A_14 = arith.constant 0 : index
    %get3A_15 = vector.load %arg2[%get3A_12, %get3A_13, %get3A_14] : memref<32x64x80xi32, #tpu.memory_space<vmem>>, vector<32x64x80xi32>
    %and3A = arith.constant 7 : i32
    %and3A_16 = vector.broadcast %and3A : i32 to vector<32x64x80xi32>
    %and3A_17 = arith.andi %get3A_15, %and3A_16 : vector<32x64x80xi32>
    %swap3A_18 = arith.constant 0 : index
    %swap3A_19 = arith.constant 0 : index
    %swap3A_20 = arith.constant 0 : index
    %swap3A_21 = vector.load %arg4[%swap3A_18, %swap3A_19, %swap3A_20] : memref<32x64x80xi32, #tpu.memory_space<vmem>>, vector<32x64x80xi32>
    tpu.vector_store %arg4[%swap3A_18, %swap3A_19, %swap3A_20], %and3A_17 {strides = array<i32>} : memref<32x64x80xi32, #tpu.memory_space<vmem>>, vector<32x64x80xi32>,
    %get3A_22 = arith.constant 0 : index
    %get3A_23 = arith.constant 0 : index
    %get3A_24 = arith.constant 0 : index
    %get3A_25 = vector.load %arg2[%get3A_22, %get3A_23, %get3A_24] : memref<32x64x80xi32, #tpu.memory_space<vmem>>, vector<32x64x80xi32>
    %shift_right_logical3A = arith.constant 3 : i32
    %shift_right_logical3A_26 = vector.broadcast %shift_right_logical3A : i32 to vector<32x64x80xi32>
    %shift_right_logical3A_27 = arith.shrui %get3A_25, %shift_right_logical3A_26 : vector<32x64x80xi32>
    %swap3A_28 = arith.constant 0 : index
    %swap3A_29 = arith.constant 0 : index
    %swap3A_30 = arith.constant 0 : index
    %swap3A_31 = vector.load %arg5[%swap3A_28, %swap3A_29, %swap3A_30] : memref<32x64x80xi32, #tpu.memory_space<vmem>>, vector<32x64x80xi32>
    tpu.vector_store %arg5[%swap3A_28, %swap3A_29, %swap3A_30], %shift_right_logical3A_27 {strides = array<i32>} : memref<32x64x80xi32, #tpu.memory_space<vmem>>, vector<32x64x80xi32>,
    return
  }
}

module attributes {stable_mosaic.version = 14 : i64} {
  func.func @_dense_body(%arg0: i32, %arg1: memref<400x128xf32, #tpu.memory_space<vmem>>, %arg2: memref<8x128x128xf32, #tpu.memory_space<vmem>>, %arg3: memref<128x128xf32, #tpu.memory_space<vmem>>, %arg4: memref<1x128xf32, #tpu.memory_space<vmem>>, %arg5: memref<8x400x128xf32, #tpu.memory_space<vmem>>, %arg6: memref<400x128xf32, #tpu.memory_space<vmem>>) attributes {dimension_semantics = [#tpu.dimension_semantics<arbitrary>], iteration_bounds = array<i64: 25>, scalar_prefetch = 0 : i64, scratch_operands = 0 : i64, tpu.core_type = #tpu.core_type<tc>, window_params = [{transform_indices = @transform_0, window_bounds = array<i64: 400, 128>}, {pipeline_mode = #tpu.pipeline_mode<synchronous>, transform_indices = @transform_1, window_bounds = array<i64: 8, 128, 128>}, {pipeline_mode = #tpu.pipeline_mode<synchronous>, transform_indices = @transform_2, window_bounds = array<i64: 128, 128>}, {pipeline_mode = #tpu.pipeline_mode<synchronous>, transform_indices = @transform_3, window_bounds = array<i64: 1, 128>}, {transform_indices = @transform_4, window_bounds = array<i64: 8, 400, 128>}, {transform_indices = @transform_5, window_bounds = array<i64: 400, 128>}]} {
    %get3A = arith.constant 0 : index
    %get3A_0 = arith.constant 0 : index
    %get3A_1 = vector.load %arg1[%get3A, %get3A_0] : memref<400x128xf32, #tpu.memory_space<vmem>>, vector<400x128xf32>
    %get3A_2 = arith.constant 0 : index
    %get3A_3 = arith.constant 0 : index
    %get3A_4 = vector.load %arg3[%get3A_2, %get3A_3] : memref<128x128xf32, #tpu.memory_space<vmem>>, vector<128x128xf32>
    %dot_general3A = arith.constant dense<0.000000e+00> : vector<400x128xf32>
    %dot_general3A_5 = tpu.matmul %get3A_1, %get3A_4, %dot_general3A {dimension_numbers = #tpu.dot_dimension_numbers<[1], [1], [0], [0], [0, 0, 1, 0], [], []>, transpose_lhs_hint = false} : vector<400x128xf32>, vector<128x128xf32>, vector<400x128xf32> -> vector<400x128xf32>
    %get3A_6 = arith.constant 0 : index
    %get3A_7 = arith.constant 0 : index
    %get3A_8 = vector.load %arg4[%get3A_6, %get3A_7] : memref<1x128xf32, #tpu.memory_space<vmem>>, vector<1x128xf32>
    %add3A = vector.broadcast %get3A_8 : vector<1x128xf32> to vector<400x128xf32>
    %add3A_9 = arith.addf %dot_general3A_5, %add3A : vector<400x128xf32>
    %swap3A = arith.constant 0 : index
    %swap3A_10 = arith.constant 0 : index
    %swap3A_11 = vector.load %arg6[%swap3A, %swap3A_10] : memref<400x128xf32, #tpu.memory_space<vmem>>, vector<400x128xf32>
    tpu.vector_store %arg6[%swap3A, %swap3A_10], %add3A_9 {strides = array<i32>} : memref<400x128xf32, #tpu.memory_space<vmem>>, vector<400x128xf32>,
    %get3A_12 = arith.constant 0 : index
    %get3A_13 = arith.constant 0 : index
    %get3A_14 = arith.constant 0 : index
    %get3A_15 = vector.load %arg2[%get3A_12, %get3A_13, %get3A_14] : memref<8x128x128xf32, #tpu.memory_space<vmem>>, vector<1x128x128xf32>
    %get3A_16 = vector.shape_cast %get3A_15 : vector<1x128x128xf32> to vector<128x128xf32>
    %dot_general3A_17 = arith.constant dense<0.000000e+00> : vector<400x128xf32>
    %dot_general3A_18 = tpu.matmul %get3A_1, %get3A_16, %dot_general3A_17 {dimension_numbers = #tpu.dot_dimension_numbers<[1], [0], [0], [1], [0, 0, 1, 1], [], []>, transpose_lhs_hint = false} : vector<400x128xf32>, vector<128x128xf32>, vector<400x128xf32> -> vector<400x128xf32>
    %swap3A_19 = arith.constant 0 : index
    %swap3A_20 = arith.constant 0 : index
    %swap3A_21 = arith.constant 0 : index
    %swap3A_22 = vector.load %arg5[%swap3A_19, %swap3A_20, %swap3A_21] : memref<8x400x128xf32, #tpu.memory_space<vmem>>, vector<1x400x128xf32>
    %swap3A_23 = vector.shape_cast %swap3A_22 : vector<1x400x128xf32> to vector<400x128xf32>
    %swap3A_24 = vector.shape_cast %dot_general3A_18 : vector<400x128xf32> to vector<1x400x128xf32>
    tpu.vector_store %arg5[%swap3A_19, %swap3A_20, %swap3A_21], %swap3A_24 {strides = array<i32>} : memref<8x400x128xf32, #tpu.memory_space<vmem>>, vector<1x400x128xf32>,
    %get3A_25 = arith.constant 1 : index
    %get3A_26 = arith.constant 0 : index
    %get3A_27 = arith.constant 0 : index
    %get3A_28 = vector.load %arg2[%get3A_25, %get3A_26, %get3A_27] : memref<8x128x128xf32, #tpu.memory_space<vmem>>, vector<1x128x128xf32>
    %get3A_29 = vector.shape_cast %get3A_28 : vector<1x128x128xf32> to vector<128x128xf32>
    %dot_general3A_30 = arith.constant dense<0.000000e+00> : vector<400x128xf32>
    %dot_general3A_31 = tpu.matmul %get3A_1, %get3A_29, %dot_general3A_30 {dimension_numbers = #tpu.dot_dimension_numbers<[1], [0], [0], [1], [0, 0, 1, 1], [], []>, transpose_lhs_hint = false} : vector<400x128xf32>, vector<128x128xf32>, vector<400x128xf32> -> vector<400x128xf32>
    %swap3A_32 = arith.constant 1 : index
    %swap3A_33 = arith.constant 0 : index
    %swap3A_34 = arith.constant 0 : index
    %swap3A_35 = vector.load %arg5[%swap3A_32, %swap3A_33, %swap3A_34] : memref<8x400x128xf32, #tpu.memory_space<vmem>>, vector<1x400x128xf32>
    %swap3A_36 = vector.shape_cast %swap3A_35 : vector<1x400x128xf32> to vector<400x128xf32>
    %swap3A_37 = vector.shape_cast %dot_general3A_31 : vector<400x128xf32> to vector<1x400x128xf32>
    tpu.vector_store %arg5[%swap3A_32, %swap3A_33, %swap3A_34], %swap3A_37 {strides = array<i32>} : memref<8x400x128xf32, #tpu.memory_space<vmem>>, vector<1x400x128xf32>,
    %get3A_38 = arith.constant 2 : index
    %get3A_39 = arith.constant 0 : index
    %get3A_40 = arith.constant 0 : index
    %get3A_41 = vector.load %arg2[%get3A_38, %get3A_39, %get3A_40] : memref<8x128x128xf32, #tpu.memory_space<vmem>>, vector<1x128x128xf32>
    %get3A_42 = vector.shape_cast %get3A_41 : vector<1x128x128xf32> to vector<128x128xf32>
    %dot_general3A_43 = arith.constant dense<0.000000e+00> : vector<400x128xf32>
    %dot_general3A_44 = tpu.matmul %get3A_1, %get3A_42, %dot_general3A_43 {dimension_numbers = #tpu.dot_dimension_numbers<[1], [0], [0], [1], [0, 0, 1, 1], [], []>, transpose_lhs_hint = false} : vector<400x128xf32>, vector<128x128xf32>, vector<400x128xf32> -> vector<400x128xf32>
    %swap3A_45 = arith.constant 2 : index
    %swap3A_46 = arith.constant 0 : index
    %swap3A_47 = arith.constant 0 : index
    %swap3A_48 = vector.load %arg5[%swap3A_45, %swap3A_46, %swap3A_47] : memref<8x400x128xf32, #tpu.memory_space<vmem>>, vector<1x400x128xf32>
    %swap3A_49 = vector.shape_cast %swap3A_48 : vector<1x400x128xf32> to vector<400x128xf32>
    %swap3A_50 = vector.shape_cast %dot_general3A_44 : vector<400x128xf32> to vector<1x400x128xf32>
    tpu.vector_store %arg5[%swap3A_45, %swap3A_46, %swap3A_47], %swap3A_50 {strides = array<i32>} : memref<8x400x128xf32, #tpu.memory_space<vmem>>, vector<1x400x128xf32>,
    %get3A_51 = arith.constant 3 : index
    %get3A_52 = arith.constant 0 : index
    %get3A_53 = arith.constant 0 : index
    %get3A_54 = vector.load %arg2[%get3A_51, %get3A_52, %get3A_53] : memref<8x128x128xf32, #tpu.memory_space<vmem>>, vector<1x128x128xf32>
    %get3A_55 = vector.shape_cast %get3A_54 : vector<1x128x128xf32> to vector<128x128xf32>
    %dot_general3A_56 = arith.constant dense<0.000000e+00> : vector<400x128xf32>
    %dot_general3A_57 = tpu.matmul %get3A_1, %get3A_55, %dot_general3A_56 {dimension_numbers = #tpu.dot_dimension_numbers<[1], [0], [0], [1], [0, 0, 1, 1], [], []>, transpose_lhs_hint = false} : vector<400x128xf32>, vector<128x128xf32>, vector<400x128xf32> -> vector<400x128xf32>
    %swap3A_58 = arith.constant 3 : index
    %swap3A_59 = arith.constant 0 : index
    %swap3A_60 = arith.constant 0 : index
    %swap3A_61 = vector.load %arg5[%swap3A_58, %swap3A_59, %swap3A_60] : memref<8x400x128xf32, #tpu.memory_space<vmem>>, vector<1x400x128xf32>
    %swap3A_62 = vector.shape_cast %swap3A_61 : vector<1x400x128xf32> to vector<400x128xf32>
    %swap3A_63 = vector.shape_cast %dot_general3A_57 : vector<400x128xf32> to vector<1x400x128xf32>
    tpu.vector_store %arg5[%swap3A_58, %swap3A_59, %swap3A_60], %swap3A_63 {strides = array<i32>} : memref<8x400x128xf32, #tpu.memory_space<vmem>>, vector<1x400x128xf32>,
    %get3A_64 = arith.constant 4 : index
    %get3A_65 = arith.constant 0 : index
    %get3A_66 = arith.constant 0 : index
    %get3A_67 = vector.load %arg2[%get3A_64, %get3A_65, %get3A_66] : memref<8x128x128xf32, #tpu.memory_space<vmem>>, vector<1x128x128xf32>
    %get3A_68 = vector.shape_cast %get3A_67 : vector<1x128x128xf32> to vector<128x128xf32>
    %dot_general3A_69 = arith.constant dense<0.000000e+00> : vector<400x128xf32>
    %dot_general3A_70 = tpu.matmul %get3A_1, %get3A_68, %dot_general3A_69 {dimension_numbers = #tpu.dot_dimension_numbers<[1], [0], [0], [1], [0, 0, 1, 1], [], []>, transpose_lhs_hint = false} : vector<400x128xf32>, vector<128x128xf32>, vector<400x128xf32> -> vector<400x128xf32>
    %swap3A_71 = arith.constant 4 : index
    %swap3A_72 = arith.constant 0 : index
    %swap3A_73 = arith.constant 0 : index
    %swap3A_74 = vector.load %arg5[%swap3A_71, %swap3A_72, %swap3A_73] : memref<8x400x128xf32, #tpu.memory_space<vmem>>, vector<1x400x128xf32>
    %swap3A_75 = vector.shape_cast %swap3A_74 : vector<1x400x128xf32> to vector<400x128xf32>
    %swap3A_76 = vector.shape_cast %dot_general3A_70 : vector<400x128xf32> to vector<1x400x128xf32>
    tpu.vector_store %arg5[%swap3A_71, %swap3A_72, %swap3A_73], %swap3A_76 {strides = array<i32>} : memref<8x400x128xf32, #tpu.memory_space<vmem>>, vector<1x400x128xf32>,
    %get3A_77 = arith.constant 5 : index
    %get3A_78 = arith.constant 0 : index
    %get3A_79 = arith.constant 0 : index
    %get3A_80 = vector.load %arg2[%get3A_77, %get3A_78, %get3A_79] : memref<8x128x128xf32, #tpu.memory_space<vmem>>, vector<1x128x128xf32>
    %get3A_81 = vector.shape_cast %get3A_80 : vector<1x128x128xf32> to vector<128x128xf32>
    %dot_general3A_82 = arith.constant dense<0.000000e+00> : vector<400x128xf32>
    %dot_general3A_83 = tpu.matmul %get3A_1, %get3A_81, %dot_general3A_82 {dimension_numbers = #tpu.dot_dimension_numbers<[1], [0], [0], [1], [0, 0, 1, 1], [], []>, transpose_lhs_hint = false} : vector<400x128xf32>, vector<128x128xf32>, vector<400x128xf32> -> vector<400x128xf32>
    %swap3A_84 = arith.constant 5 : index
    %swap3A_85 = arith.constant 0 : index
    %swap3A_86 = arith.constant 0 : index
    %swap3A_87 = vector.load %arg5[%swap3A_84, %swap3A_85, %swap3A_86] : memref<8x400x128xf32, #tpu.memory_space<vmem>>, vector<1x400x128xf32>
    %swap3A_88 = vector.shape_cast %swap3A_87 : vector<1x400x128xf32> to vector<400x128xf32>
    %swap3A_89 = vector.shape_cast %dot_general3A_83 : vector<400x128xf32> to vector<1x400x128xf32>
    tpu.vector_store %arg5[%swap3A_84, %swap3A_85, %swap3A_86], %swap3A_89 {strides = array<i32>} : memref<8x400x128xf32, #tpu.memory_space<vmem>>, vector<1x400x128xf32>,
    %get3A_90 = arith.constant 6 : index
    %get3A_91 = arith.constant 0 : index
    %get3A_92 = arith.constant 0 : index
    %get3A_93 = vector.load %arg2[%get3A_90, %get3A_91, %get3A_92] : memref<8x128x128xf32, #tpu.memory_space<vmem>>, vector<1x128x128xf32>
    %get3A_94 = vector.shape_cast %get3A_93 : vector<1x128x128xf32> to vector<128x128xf32>
    %dot_general3A_95 = arith.constant dense<0.000000e+00> : vector<400x128xf32>
    %dot_general3A_96 = tpu.matmul %get3A_1, %get3A_94, %dot_general3A_95 {dimension_numbers = #tpu.dot_dimension_numbers<[1], [0], [0], [1], [0, 0, 1, 1], [], []>, transpose_lhs_hint = false} : vector<400x128xf32>, vector<128x128xf32>, vector<400x128xf32> -> vector<400x128xf32>
    %swap3A_97 = arith.constant 6 : index
    %swap3A_98 = arith.constant 0 : index
    %swap3A_99 = arith.constant 0 : index
    %swap3A_100 = vector.load %arg5[%swap3A_97, %swap3A_98, %swap3A_99] : memref<8x400x128xf32, #tpu.memory_space<vmem>>, vector<1x400x128xf32>
    %swap3A_101 = vector.shape_cast %swap3A_100 : vector<1x400x128xf32> to vector<400x128xf32>
    %swap3A_102 = vector.shape_cast %dot_general3A_96 : vector<400x128xf32> to vector<1x400x128xf32>
    tpu.vector_store %arg5[%swap3A_97, %swap3A_98, %swap3A_99], %swap3A_102 {strides = array<i32>} : memref<8x400x128xf32, #tpu.memory_space<vmem>>, vector<1x400x128xf32>,
    %get3A_103 = arith.constant 7 : index
    %get3A_104 = arith.constant 0 : index
    %get3A_105 = arith.constant 0 : index
    %get3A_106 = vector.load %arg2[%get3A_103, %get3A_104, %get3A_105] : memref<8x128x128xf32, #tpu.memory_space<vmem>>, vector<1x128x128xf32>
    %get3A_107 = vector.shape_cast %get3A_106 : vector<1x128x128xf32> to vector<128x128xf32>
    %dot_general3A_108 = arith.constant dense<0.000000e+00> : vector<400x128xf32>
    %dot_general3A_109 = tpu.matmul %get3A_1, %get3A_107, %dot_general3A_108 {dimension_numbers = #tpu.dot_dimension_numbers<[1], [0], [0], [1], [0, 0, 1, 1], [], []>, transpose_lhs_hint = false} : vector<400x128xf32>, vector<128x128xf32>, vector<400x128xf32> -> vector<400x128xf32>
    %swap3A_110 = arith.constant 7 : index
    %swap3A_111 = arith.constant 0 : index
    %swap3A_112 = arith.constant 0 : index
    %swap3A_113 = vector.load %arg5[%swap3A_110, %swap3A_111, %swap3A_112] : memref<8x400x128xf32, #tpu.memory_space<vmem>>, vector<1x400x128xf32>
    %swap3A_114 = vector.shape_cast %swap3A_113 : vector<1x400x128xf32> to vector<400x128xf32>
    %swap3A_115 = vector.shape_cast %dot_general3A_109 : vector<400x128xf32> to vector<1x400x128xf32>
    tpu.vector_store %arg5[%swap3A_110, %swap3A_111, %swap3A_112], %swap3A_115 {strides = array<i32>} : memref<8x400x128xf32, #tpu.memory_space<vmem>>, vector<1x400x128xf32>,
    return
  }
  func.func @transform_0(%arg0: i32) -> (i32, i32) {
    %c0_i32 = arith.constant 0 : i32
    %c0_i32_0 = arith.constant 0 : i32
    return %arg0, %c0_i32 : i32, i32
  }
  func.func @transform_1(%arg0: i32) -> (i32, i32, i32) {
    %c0_i32 = arith.constant 0 : i32
    %c0_i32_0 = arith.constant 0 : i32
    %c0_i32_1 = arith.constant 0 : i32
    %c0_i32_2 = arith.constant 0 : i32
    return %c0_i32, %c0_i32_0, %c0_i32_1 : i32, i32, i32
  }
  func.func @transform_2(%arg0: i32) -> (i32, i32) {
    %c0_i32 = arith.constant 0 : i32
    %c0_i32_0 = arith.constant 0 : i32
    %c0_i32_1 = arith.constant 0 : i32
    return %c0_i32, %c0_i32_0 : i32, i32
  }
  func.func @transform_3(%arg0: i32) -> (i32, i32) {
    %c0_i32 = arith.constant 0 : i32
    %c0_i32_0 = arith.constant 0 : i32
    %c0_i32_1 = arith.constant 0 : i32
    return %c0_i32, %c0_i32_0 : i32, i32
  }
  func.func @transform_4(%arg0: i32) -> (i32, i32, i32) {
    %c0_i32 = arith.constant 0 : i32
    %c0_i32_0 = arith.constant 0 : i32
    %c0_i32_1 = arith.constant 0 : i32
    return %c0_i32, %arg0, %c0_i32_0 : i32, i32, i32
  }
  func.func @transform_5(%arg0: i32) -> (i32, i32) {
    %c0_i32 = arith.constant 0 : i32
    %c0_i32_0 = arith.constant 0 : i32
    return %arg0, %c0_i32 : i32, i32
  }
}

module attributes {stable_mosaic.version = 14 : i64} {
  func.func @_degsum_body(%arg0: i32, %arg1: memref<2x160x128xf32, #tpu.memory_space<vmem>>, %arg2: memref<160x8xf32, #tpu.memory_space<vmem>>) attributes {dimension_semantics = [#tpu.dimension_semantics<arbitrary>], iteration_bounds = array<i64: 8>, scalar_prefetch = 0 : i64, scratch_operands = 0 : i64, tpu.core_type = #tpu.core_type<tc>, window_params = [{transform_indices = @transform_0, window_bounds = array<i64: 2, 160, 128>}, {transform_indices = @transform_1, window_bounds = array<i64: 160, 8>}]} {
    %get3A = arith.constant 0 : index
    %get3A_0 = arith.constant 0 : index
    %get3A_1 = arith.constant 0 : index
    %get3A_2 = vector.load %arg1[%get3A, %get3A_0, %get3A_1] : memref<2x160x128xf32, #tpu.memory_space<vmem>>, vector<1x160x128xf32>
    %get3A_3 = vector.shape_cast %get3A_2 : vector<1x160x128xf32> to vector<160x128xf32>
    %get3A_4 = arith.constant 1 : index
    %get3A_5 = arith.constant 0 : index
    %get3A_6 = arith.constant 0 : index
    %get3A_7 = vector.load %arg1[%get3A_4, %get3A_5, %get3A_6] : memref<2x160x128xf32, #tpu.memory_space<vmem>>, vector<1x160x128xf32>
    %get3A_8 = vector.shape_cast %get3A_7 : vector<1x160x128xf32> to vector<160x128xf32>
    %add3A = arith.addf %get3A_3, %get3A_8 : vector<160x128xf32>
    %iota3A = tpu.iota {dimensions = array<i32: 0>} : vector<128x8xi32>
    %iota3A_9 = tpu.iota {dimensions = array<i32: 1>} : vector<128x8xi32>
    %mul3A = arith.constant 16 : i32
    %mul3A_10 = vector.broadcast %mul3A : i32 to vector<128x8xi32>
    %mul3A_11 = arith.muli %iota3A_9, %mul3A_10 : vector<128x8xi32>
    %eq3A = arith.cmpi eq, %iota3A, %mul3A_11 : vector<128x8xi32>
    %convert_element_type3A = arith.extui %eq3A : vector<128x8xi1> to vector<128x8xi32>
    %convert_element_type3A_12 = arith.sitofp %convert_element_type3A : vector<128x8xi32> to vector<128x8xf32>
    %dot_general3A = arith.constant dense<0.000000e+00> : vector<160x8xf32>
    %dot_general3A_13 = tpu.matmul %add3A, %convert_element_type3A_12, %dot_general3A {dimension_numbers = #tpu.dot_dimension_numbers<[1], [0], [0], [1], [0, 0, 1, 1], [], []>, transpose_lhs_hint = false} : vector<160x128xf32>, vector<128x8xf32>, vector<160x8xf32> -> vector<160x8xf32>
    %swap3A = arith.constant 0 : index
    %swap3A_14 = arith.constant 0 : index
    %swap3A_15 = vector.load %arg2[%swap3A, %swap3A_14] : memref<160x8xf32, #tpu.memory_space<vmem>>, vector<160x8xf32>
    tpu.vector_store %arg2[%swap3A, %swap3A_14], %dot_general3A_13 {strides = array<i32>} : memref<160x8xf32, #tpu.memory_space<vmem>>, vector<160x8xf32>,
    return
  }
  func.func @transform_0(%arg0: i32) -> (i32, i32, i32) {
    %c0_i32 = arith.constant 0 : i32
    %c0_i32_0 = arith.constant 0 : i32
    %c0_i32_1 = arith.constant 0 : i32
    return %c0_i32, %arg0, %c0_i32_0 : i32, i32, i32
  }
  func.func @transform_1(%arg0: i32) -> (i32, i32) {
    %c0_i32 = arith.constant 0 : i32
    %c0_i32_0 = arith.constant 0 : i32
    return %arg0, %c0_i32 : i32, i32
  }
}

module attributes {stable_mosaic.version = 14 : i64} {
  func.func @_combine_body(%arg0: i32, %arg1: memref<400x128xf32, #tpu.memory_space<vmem>>, %arg2: memref<2x400x128xf32, #tpu.memory_space<vmem>>, %arg3: memref<400x1xf32, #tpu.memory_space<vmem>>, %arg4: memref<400x128xf32, #tpu.memory_space<vmem>>) attributes {dimension_semantics = [#tpu.dimension_semantics<arbitrary>], iteration_bounds = array<i64: 25>, scalar_prefetch = 0 : i64, scratch_operands = 0 : i64, tpu.core_type = #tpu.core_type<tc>, window_params = [{transform_indices = @transform_0, window_bounds = array<i64: 400, 128>}, {transform_indices = @transform_1, window_bounds = array<i64: 2, 400, 128>}, {transform_indices = @transform_2, window_bounds = array<i64: 400, 1>}, {transform_indices = @transform_3, window_bounds = array<i64: 400, 128>}]} {
    %get3A = arith.constant 0 : index
    %get3A_0 = arith.constant 0 : index
    %get3A_1 = vector.load %arg3[%get3A, %get3A_0] : memref<400x1xf32, #tpu.memory_space<vmem>>, vector<400x1xf32>
    %max3A = arith.constant 1.000000e+00 : f32
    %max3A_2 = vector.broadcast %max3A : f32 to vector<400x1xf32>
    %max3A_3 = arith.maximumf %get3A_1, %max3A_2 : vector<400x1xf32>
    %get3A_4 = arith.constant 0 : index
    %get3A_5 = arith.constant 0 : index
    %get3A_6 = arith.constant 0 : index
    %get3A_7 = vector.load %arg2[%get3A_4, %get3A_5, %get3A_6] : memref<2x400x128xf32, #tpu.memory_space<vmem>>, vector<1x400x128xf32>
    %get3A_8 = vector.shape_cast %get3A_7 : vector<1x400x128xf32> to vector<400x128xf32>
    %get3A_9 = arith.constant 1 : index
    %get3A_10 = arith.constant 0 : index
    %get3A_11 = arith.constant 0 : index
    %get3A_12 = vector.load %arg2[%get3A_9, %get3A_10, %get3A_11] : memref<2x400x128xf32, #tpu.memory_space<vmem>>, vector<1x400x128xf32>
    %get3A_13 = vector.shape_cast %get3A_12 : vector<1x400x128xf32> to vector<400x128xf32>
    %add3A = arith.addf %get3A_8, %get3A_13 : vector<400x128xf32>
    %get3A_14 = arith.constant 0 : index
    %get3A_15 = arith.constant 0 : index
    %get3A_16 = vector.load %arg1[%get3A_14, %get3A_15] : memref<400x128xf32, #tpu.memory_space<vmem>>, vector<400x128xf32>
    %div3A = vector.broadcast %max3A_3 : vector<400x1xf32> to vector<400x128xf32>
    %div3A_17 = arith.divf %add3A, %div3A : vector<400x128xf32>
    %add3A_18 = arith.addf %get3A_16, %div3A_17 : vector<400x128xf32>
    %max3A_19 = arith.constant 0.000000e+00 : f32
    %max3A_20 = vector.broadcast %max3A_19 : f32 to vector<400x128xf32>
    %max3A_21 = arith.maximumf %add3A_18, %max3A_20 : vector<400x128xf32>
    %swap3A = arith.constant 0 : index
    %swap3A_22 = arith.constant 0 : index
    %swap3A_23 = vector.load %arg4[%swap3A, %swap3A_22] : memref<400x128xf32, #tpu.memory_space<vmem>>, vector<400x128xf32>
    tpu.vector_store %arg4[%swap3A, %swap3A_22], %max3A_21 {strides = array<i32>} : memref<400x128xf32, #tpu.memory_space<vmem>>, vector<400x128xf32>,
    return
  }
  func.func @transform_0(%arg0: i32) -> (i32, i32) {
    %c0_i32 = arith.constant 0 : i32
    %c0_i32_0 = arith.constant 0 : i32
    return %arg0, %c0_i32 : i32, i32
  }
  func.func @transform_1(%arg0: i32) -> (i32, i32, i32) {
    %c0_i32 = arith.constant 0 : i32
    %c0_i32_0 = arith.constant 0 : i32
    %c0_i32_1 = arith.constant 0 : i32
    return %c0_i32, %arg0, %c0_i32_0 : i32, i32, i32
  }
  func.func @transform_2(%arg0: i32) -> (i32, i32) {
    %c0_i32 = arith.constant 0 : i32
    %c0_i32_0 = arith.constant 0 : i32
    return %arg0, %c0_i32 : i32, i32
  }
  func.func @transform_3(%arg0: i32) -> (i32, i32) {
    %c0_i32 = arith.constant 0 : i32
    %c0_i32_0 = arith.constant 0 : i32
    return %arg0, %c0_i32 : i32, i32
  }
}

module attributes {stable_mosaic.version = 14 : i64} {
  func.func @_combine_body(%arg0: i32, %arg1: memref<400x128xf32, #tpu.memory_space<vmem>>, %arg2: memref<2x400x128xf32, #tpu.memory_space<vmem>>, %arg3: memref<400x1xf32, #tpu.memory_space<vmem>>, %arg4: memref<400x128xf32, #tpu.memory_space<vmem>>) attributes {dimension_semantics = [#tpu.dimension_semantics<arbitrary>], iteration_bounds = array<i64: 25>, scalar_prefetch = 0 : i64, scratch_operands = 0 : i64, tpu.core_type = #tpu.core_type<tc>, window_params = [{transform_indices = @transform_0, window_bounds = array<i64: 400, 128>}, {transform_indices = @transform_1, window_bounds = array<i64: 2, 400, 128>}, {transform_indices = @transform_2, window_bounds = array<i64: 400, 1>}, {transform_indices = @transform_3, window_bounds = array<i64: 400, 128>}]} {
    %get3A = arith.constant 0 : index
    %get3A_0 = arith.constant 0 : index
    %get3A_1 = vector.load %arg3[%get3A, %get3A_0] : memref<400x1xf32, #tpu.memory_space<vmem>>, vector<400x1xf32>
    %max3A = arith.constant 1.000000e+00 : f32
    %max3A_2 = vector.broadcast %max3A : f32 to vector<400x1xf32>
    %max3A_3 = arith.maximumf %get3A_1, %max3A_2 : vector<400x1xf32>
    %get3A_4 = arith.constant 0 : index
    %get3A_5 = arith.constant 0 : index
    %get3A_6 = arith.constant 0 : index
    %get3A_7 = vector.load %arg2[%get3A_4, %get3A_5, %get3A_6] : memref<2x400x128xf32, #tpu.memory_space<vmem>>, vector<1x400x128xf32>
    %get3A_8 = vector.shape_cast %get3A_7 : vector<1x400x128xf32> to vector<400x128xf32>
    %get3A_9 = arith.constant 1 : index
    %get3A_10 = arith.constant 0 : index
    %get3A_11 = arith.constant 0 : index
    %get3A_12 = vector.load %arg2[%get3A_9, %get3A_10, %get3A_11] : memref<2x400x128xf32, #tpu.memory_space<vmem>>, vector<1x400x128xf32>
    %get3A_13 = vector.shape_cast %get3A_12 : vector<1x400x128xf32> to vector<400x128xf32>
    %add3A = arith.addf %get3A_8, %get3A_13 : vector<400x128xf32>
    %get3A_14 = arith.constant 0 : index
    %get3A_15 = arith.constant 0 : index
    %get3A_16 = vector.load %arg1[%get3A_14, %get3A_15] : memref<400x128xf32, #tpu.memory_space<vmem>>, vector<400x128xf32>
    %div3A = vector.broadcast %max3A_3 : vector<400x1xf32> to vector<400x128xf32>
    %div3A_17 = arith.divf %add3A, %div3A : vector<400x128xf32>
    %add3A_18 = arith.addf %get3A_16, %div3A_17 : vector<400x128xf32>
    %max3A_19 = arith.constant 0.000000e+00 : f32
    %max3A_20 = vector.broadcast %max3A_19 : f32 to vector<400x128xf32>
    %max3A_21 = arith.maximumf %add3A_18, %max3A_20 : vector<400x128xf32>
    %swap3A = arith.constant 0 : index
    %swap3A_22 = arith.constant 0 : index
    %swap3A_23 = vector.load %arg4[%swap3A, %swap3A_22] : memref<400x128xf32, #tpu.memory_space<vmem>>, vector<400x128xf32>
    tpu.vector_store %arg4[%swap3A, %swap3A_22], %max3A_21 {strides = array<i32>} : memref<400x128xf32, #tpu.memory_space<vmem>>, vector<400x128xf32>,
    return
  }
  func.func @transform_0(%arg0: i32) -> (i32, i32) {
    %c0_i32 = arith.constant 0 : i32
    %c0_i32_0 = arith.constant 0 : i32
    return %arg0, %c0_i32 : i32, i32
  }
  func.func @transform_1(%arg0: i32) -> (i32, i32, i32) {
    %c0_i32 = arith.constant 0 : i32
    %c0_i32_0 = arith.constant 0 : i32
    %c0_i32_1 = arith.constant 0 : i32
    return %c0_i32, %arg0, %c0_i32_0 : i32, i32, i32
  }
  func.func @transform_2(%arg0: i32) -> (i32, i32) {
    %c0_i32 = arith.constant 0 : i32
    %c0_i32_0 = arith.constant 0 : i32
    return %arg0, %c0_i32 : i32, i32
  }
  func.func @transform_3(%arg0: i32) -> (i32, i32) {
    %c0_i32 = arith.constant 0 : i32
    %c0_i32_0 = arith.constant 0 : i32
    return %arg0, %c0_i32 : i32, i32
  }
}

</mosaic_0001>

<sc_bundles>
// kernel: gather_offload_async_start
scs
__scs_entry_jumppad:
0x0: {  	(pc) =	sbr.rel $0x88, $3  }
0x1: {  	(tag) =	ssettag $0x0;
	lr =	simm.s32 $0x1  }
0x2: {  	[smem:$0x3F97] =	sst lr;
	_ =	strace $0xD0000000  }
0x3: {  	_ = 	snop  }
0x4: {  	_ = 	snop  }
0x5: {  	_ = 	snop  }
0x6: {  	_ = 	snop  }
0x7: {  	_ = 	snop  }
__scs_overlays_trampoline_lowered:
0x8: {  	[smem:$0x3FA6] =	sst s0  }
0x9: {  	[smem:$0x3FA7] =	sst s1  }
0xa: {  	[smem:$0x3FA8] =	sst s2  }
0xb: {  	[smem:$0x3FA9] =	sst s3  }
0xc: {  	[smem:$0x3FAA] =	sst s4  }
0xd: {  	[smem:$0x3FAB] =	sst s5  }
0xe: {  	[smem:$0x3FAC] =	sst s6  }
0xf: {  	[smem:$0x3FAD] =	sst s7  }
0x10: {  	[smem:$0x3FAE] =	sst s8  }
0x11: {  	[smem:$0x3FAF] =	sst s9;
	s0 =	simm.s32 @!p0 $0x0  }
0x12: {  	s1 =	sld [smem:$0x3F95];
	s0 =	simm.s32 @p0 $0x1  }
0x13: {  	[smem:$0x3FB0] =	sst s0;
	s0 =	simm.s32 @!p1 $0x0  }
0x14: {  	s2 =	sld [smem:$0x3F94];
	s0 =	simm.s32 @p1 $0x1  }
0x15: {  	[smem:$0x3FB1] =	sst s0;
	s0 =	simm.s32 @!p2 $0x0  }
0x16: {  	s3 =	sld [smem:$0x3FDB];
	s0 =	simm.s32 @p2 $0x1  }
0x17: {  	s4 =	simm.s32 $0x1BF5;
	[smem:$0x3FB3] =	sst s0  }
0x18: {  	s0 =	sld [smem:$0x3F96];
	_ =	swait.ge [sflag:s4], $0x0  }
0x19: {  	s7 =	sld [smem:$0x3F97]  }
0x1a: {  	s8 =	sadd.s32 $0xFFFFE003, lr  }
0x1b: {  	s9 =	sadd.s32 $0xFFFFFEF7, lr;
	s5 =	simm.s32 $0xFFFFFFFF;
	p2 =	slt.u32 s8, $0xFFFFF086  }
0x1c: {  	p1 =	slt.u32 s9, $0xF7A;
	s5 =	simm.s32 @!p2 $0x0  }
0x1d: {  	s5 =	simm.s32 @p1 $0x1;
	p0 =	seq.s32 s7, s2  }
0x1e: {  	s7 =	smul.u32 @!p0 $0xF7A, s2;
	p2 =	seq.s32 @!p0 s5, $0x0  }
0x1f: {  	s9 =	smul.u32 $0xF7A, s1;
	s8 =	simm.s32 @!p0 $0x1BF5;
	p2 =	por !p2, p0  }
0x20: {  	[sflag:s8] =	ssyncset.s32 @!p0 $0xFFFFF086;
	s6 =	sadd.s32 @!p0 s3, s7;
	s7 =	simm.s32 @!p0 $0x108  }
0x21: {  	s3 =	sadd.s32 s3, s9;
	s6 =	sadd.s32 @!p0 $0x88, s6;
	s7 =	simm.s32 @p2 $0x1082  }
0x22: {  	[simem:s7], [sflag:s8] =	dma.local @!p0 [hbm:s6], $0xF7A  }
0x23: {  	s9 =	sor.u32 $0xD0000000, s2;
	s6 =	simm.s32 $0x108;
	_ =	swait.ge @!p0 [sflag:s8], $0x0  }
0x24: {  	s3 =	sadd.s32 $0x88, s3;
	s6 =	simm.s32 @!p1 $0x1082;
	[sflag:s4] =	ssyncset.s32 $0xFFFFF086  }
0x25: {  	[simem:s6], [sflag:s4] =	dma.local [hbm:s3], $0xF7A  }
0x26: {  	[smem:$0x3F97] =	sst s1;
	(tag) =	ssettag s2;
	_ =	strace s9  }
0x27: {  	s1 =	sld [smem:$0x3FA7]  }
0x28: {  	s2 =	sld [smem:$0x3FA8]  }
0x29: {  	s4 =	sld [smem:$0x3FAA]  }
0x2a: {  	p0 =	seq.s32 s5, $0x0;
	s5 =	sld [smem:$0x3FAB]  }
0x2b: {  	s6 =	sld [smem:$0x3FAC]  }
0x2c: {  	s7 =	sld [smem:$0x3FAD]  }
0x2d: {  	s3 =	simm.s32 $0x108;
	s8 =	sld [smem:$0x3FAE]  }
0x2e: {  	s3 =	simm.s32 @!p0 $0x1082;
	s9 =	sld [smem:$0x3FAF]  }
0x2f: {  	lr =	sadd.s32 s0, s3;
	s0 =	sld [smem:$0x3FA6]  }
0x30: {  	s3 =	sld [smem:$0x3FA9]  }
0x31: {  	[smem:$0x3FB2] =	sst s10  }
0x32: {  	s10 =	sld [smem:$0x3FB0];
	_ =	sdelay $0x3  }
0x33: {  	p0 =	seq.s32 s10, $0x1;
	s10 =	sld [smem:$0x3FB2];
	_ =	sdelay $0x3  }
0x34: {  	[smem:$0x3FB2] =	sst s10  }
0x35: {  	s10 =	sld [smem:$0x3FB1];
	_ =	sdelay $0x3  }
0x36: {  	p1 =	seq.s32 s10, $0x1;
	s10 =	sld [smem:$0x3FB2];
	_ =	sdelay $0x3  }
0x37: {  	[smem:$0x3FB2] =	sst s10  }
0x38: {  	s10 =	sld [smem:$0x3FB3]  }
0x39: {  	_ = 	snop;
	(pc) =	sbr.ind lr, $3  }
0x3a: {  	_ = 	snop  }
0x3b: {  	_ = 	snop  }
0x3c: {  	p2 =	seq.s32 s10, $0x1;
	s10 =	sld [smem:$0x3FB2]  }
0x3d: {  	_ =	shalt  }
0x3e: {  	_ =	shalt  }
0x3f: {  	_ =	shalt  }
0x40: {  	_ =	shalt  }
0x41: {  	_ =	shalt  }
0x42: {  	_ =	shalt  }
0x43: {  	_ =	shalt  }
0x44: {  	_ =	shalt  }
0x45: {  	_ =	shalt  }
0x46: {  	_ =	shalt  }
0x47: {  	_ =	shalt  }
0x48: {  	_ =	shalt  }
0x49: {  	_ =	shalt  }
0x4a: {  	_ =	shalt  }
0x4b: {  	_ =	shalt  }
0x4c: {  	_ =	shalt  }
0x4d: {  	_ =	shalt  }
0x4e: {  	_ =	shalt  }
0x4f: {  	_ =	shalt  }
0x50: {  	_ =	shalt  }
0x51: {  	_ =	shalt  }
0x52: {  	_ =	shalt  }
0x53: {  	_ =	shalt  }
0x54: {  	_ =	shalt  }
0x55: {  	_ =	shalt  }
0x56: {  	_ =	shalt  }
0x57: {  	_ =	shalt  }
0x58: {  	_ =	shalt  }
0x59: {  	_ =	shalt  }
0x5a: {  	_ =	shalt  }
0x5b: {  	_ =	shalt  }
0x5c: {  	_ =	shalt  }
0x5d: {  	_ =	shalt  }
0x5e: {  	_ =	shalt  }
0x5f: {  	_ =	shalt  }
0x60: {  	_ =	shalt  }
0x61: {  	_ =	shalt  }
0x62: {  	_ =	shalt  }
0x63: {  	_ =	shalt  }
0x64: {  	_ =	shalt  }
0x65: {  	_ =	shalt  }
0x66: {  	_ =	shalt  }
0x67: {  	_ =	shalt  }
0x68: {  	_ =	shalt  }
0x69: {  	_ =	shalt  }
0x6a: {  	_ =	shalt  }
0x6b: {  	_ =	shalt  }
0x6c: {  	_ =	shalt  }
0x6d: {  	_ =	shalt  }
0x6e: {  	_ =	shalt  }
0x6f: {  	_ =	shalt  }
0x70: {  	_ =	shalt  }
0x71: {  	_ =	shalt  }
0x72: {  	_ =	shalt  }
0x73: {  	_ =	shalt  }
0x74: {  	_ =	shalt  }
0x75: {  	_ =	shalt  }
0x76: {  	_ =	shalt  }
0x77: {  	_ =	shalt  }
0x78: {  	_ =	shalt  }
0x79: {  	_ =	shalt  }
0x7a: {  	_ =	shalt  }
0x7b: {  	_ =	shalt  }
0x7c: {  	_ =	shalt  }
0x7d: {  	_ =	shalt  }
0x7e: {  	_ =	shalt  }
0x7f: {  	_ =	shalt  }
0x80: {  	_ =	shalt  }
0x81: {  	_ =	shalt  }
0x82: {  	_ =	shalt  }
0x83: {  	_ =	shalt  }
0x84: {  	_ =	shalt  }
0x85: {  	_ =	shalt  }
0x86: {  	_ =	shalt  }
0x87: {  	_ =	shalt  }
.Lfunc_end0:
.L_simem_size_0:
called_computation_lowered:
.L_overlay_start_0:
0x88: {  	s0 =	sld [smem:$0x3FD9]  }
0x89: {  	s1 =	sld [smem:$0x3FFE];
	_ =	sdelay $0x3  }
0x8a: {  	s0 =	sadd.s32 s1, s0  }
0x8b: {  	[smem:$0x3FBE] =	sst s0  }
0x8c: {  	_ = 	snop  }
0x8d: {  	s0 =	sld [smem:$0x3FC6]  }
0x8e: {  	s16 =	sld [smem:$0x3FD0];
	(tm) =	ssettm $0x1  }
0x8f: {  	s2 =	sld [smem:$0x3FFB];
	_ =	sdelay $0x3  }
0x90: {  	_ =	strace s2  }
0x91: {  	s2 =	sld [smem:$0x3FFC];
	_ =	sdelay $0x3  }
0x92: {  	_ =	strace s2  }
0x93: {  	s2 =	sld [smem:$0x3FFD];
	_ =	sdelay $0x3  }
0x94: {  	_ =	strace s2  }
0x95: {  	_ =	strace $0x8FFFFFFF  }
0x96: {  	s17 =	sld [smem:$0x3FDB];
	_ =	sdelay $0x1  }
0x97: {  	s3 =	simm.s32 $_scs_section_size  }
0x98: {  	s4 =	simm.s32 $_size__tile_overlayer_lowered;
	s5 =	simm.s32 $_tile_overlayer_lowered  }
0x99: {  	s20 =	simm.s32 $0x1BFF;
	s19 =	sshll.u32 s5, $0x1;
	s2 =	sadd.s32 s3, s17  }
0x9a: {  	s6 =	simm.s32 $0x0;
	s18 =	sshll.u32 s4, $0x1;
	s4 =	sadd.s32 s19, s2  }
0x9b: {  	[timem:s6], [sflag:s20] =	dma.local [hbm:s4], s18  }
0x9c: {  	_ =	swait.ge [sflag:s20], s18  }
0x9d: {  	s3 =	ssub.s32 $0x0, s18;
	[sflag:s20] =	ssyncset.done $0x0  }
0x9e: {  	[sflag:s20] =	ssyncadd.s32 s3;
	_ =	sdelay $0x1  }
0x9f: {  	s21 =	simm.s32 $0x1B8B  }
0xa0: {  	_ =	swait.ge [sflag:s21], $0x1  }
0xa1: {  	[sflag:s21] =	ssyncset.done $0x0  }
0xa2: {  	s23 =	simm.s32 $0x1B8E;
	s22 =	sld [smem:$0x3FFE];
	[sflag:s21] =	ssyncadd.s32 $0xFFFFFFFF  }
0xa3: {  	s24 =	simm.s32 $execute0_lowered;
	[smem:$0x3FD2] =	sst s23  }
0xa4: {  	s4 =	sshll.u32 s24, $0x1;
	_ =	strace $0x80000046;
	[dreg:$0x1] =	wrdreg $0xFFFFFFFF  }
0xa5: {  	s25 =	simm.s32 $_size_execute0_lowered;
	s2 =	sadd.s32 s2, s4;
	[dreg:$0x0] =	wrdreg $0x0  }
0xa6: {  	s4 =	sshll.u32 s25, $0x1;
	[dreg:$0x2] =	wrdreg s2  }
0xa7: {  	[dreg:$0x3] =	wrdreg s4  }
0xa8: {  	[dreg:$0x4] =	wrdreg $0xC0  }
0xa9: {  	_ =	task [dreg:s6], $0x5FFFF  }
0xaa: {  	[dreg:$0x1] =	wrdreg $0xFFFFFFFF  }
0xab: {  	[dreg:$0x0] =	wrdreg $0x60  }
0xac: {  	[dreg:$0x2] =	wrdreg s0  }
0xad: {  	[dreg:$0x3] =	wrdreg s22  }
0xae: {  	[dreg:$0x4] =	wrdreg s16  }
0xaf: {  	[dreg:$0x5] =	wrdreg $0xA  }
0xb0: {  	_ =	task.clear_ibuf [dreg:s6], $0x6FFFF;
	_ =	strace $0x90000046  }
0xb1: {  	s26 =	simm.s32 $0xA;
	_ =	strace $0x80000048  }
0xb2: {  	_ =	swait.ge [sflag:s26], $0x1  }
0xb3: {  	[sflag:s26] =	ssyncadd.s32 $0xFFFFFFFF  }
0xb4: {  	_ =	strace $0x90000048  }
0xb5: {  	_ =	sfence  }
0xb6: {  	s28 =	sld [smem:$0x0];
	_ =	sdelay $0x1  }
0xb7: {  	s29 =	srdreg.scid  }
0xb8: {  	s30 =	sshll.u32 s29, $0xD;
	s31 =	sshrl.u32 s29, $0x2  }
0xb9: {  	s1 =	sand.u32 $0x1, s29;
	s2 =	sand.u32 $0x4000, s30;
	s0 =	sadd.s32 s31, s28  }
0xba: {  	s1 =	sor.u32 s2, s1;
	s0 =	sshll.u32 s0, $0x11  }
0xbb: {  	s0 =	sor.u32 s0, s1  }
0xbc: {  	s0 =	sadd.s32 $0x8F2B, s0  }
0xbd: {  	[sflag:s0] =	ssyncadd.remote.s32 $0x1  }
0xbe: {  	_ =	sfence.sel $0xFFFF  }
0xbf: {  	[dreg:$0x0] =	wrdreg $0xFFFFFFFF;
	(pc) =	sbr.abs _section_cstart, $3  }
0xc0: {  	[dreg:$0x1] =	wrdreg $0xFFFFFFFF  }
0xc1: {  	_ =	task.clear_ibuf [dreg:s6], $0x2FFFF;
	_ =	strace $0x9FFFFFFF  }
0xc2: {  	(tm) =	ssettm $0x7FFFFFFF  }
0xc3: {  	_ =	shalt  }
tec
execute0_lowered:
.L_overlay_start_1:
0x0: {  	(tag) =	ssettag $0x1  }
0x1: {  	s0 =	stileid.u32  }
0x2: {  	s1 =	smin.u32 s0, $0x9  }
0x3: {  	s1 =	sadd.s32 s0, s1  }
0x4: {  	s2 =	simm.s32 $0x320;
	p0 =	slt.u32 s0, $0x9;
	s1 =	smul.u32 $0x190, s1  }
0x5: {  	s2 =	simm.s32 @!p0 $0x190  }
0x6: {  	s2 =	sadd.s32 s2, s1  }
0x7: {  	s3 =	smin.u32 s2, $0x2710  }
0x8: {  	s7 =	ssub.s32 s3, s1  }
0x9: {  	p0 =	sgt.s32 s7, $0x0  }
0xa: {  	s7 =	simm.s32 @!p0 $0x0  }
0xb: {  	s31 =	sand.u32 $0xFFF0, s7  }
0xc: {  	s4 =	rddreg [dreg:$0x0];
	s2 =	sshrl.u32 s31, $0x4  }
0xd: {  	s9 =	rddreg [dreg:$0x1];
	s2 =	smul.u32 $0xA3E, s2  }
0xe: {  	s5 =	rddreg [dreg:$0x2]  }
0xf: {  	s6 =	simm.s32 $0x1;
	s11 =	simm.s32 $0x3;
	s8 =	sshrl.u32 s2, $0x10  }
0x10: {  	s13 =	simm.s32 $0x0;
	s12 =	simm.s32 $0x0;
	s10 =	smul.u32 $0x190, s8  }
.Ltmp0:
0x11: {  	s9 =	sadd.s32 $0x2C00, s9;
	s2 =	rddreg [dreg:$0x3];
	(pc) =	sbr.rel .LBB2_1-.Ltmp0, $4  }
0x12: {  	_ =	strace $0x80000047;
	p0 =	sne.s32 s7, s10;
	s10 =	simm.s32 $0x1  }
0x13: {  	[sflag:s6] =	ssyncpa.u1 $0x0;
	s7 =	simm.s32 $0x2;
	s10 =	simm.s32 @!p0 $0x0  }
0x14: {  	[sflag:s7] =	ssyncpa.u1 $0x0;
	p0 =	por $0x0, $0x0;
	s8 =	sadd.s32 s8, s10  }
0x15: {  	vm0 =	vmmov $0xff;
	vm1 =	vcmask $0x3F20;
	[sflag:s11] =	ssyncpa.u1 $0x0;
	s11 =	smov.u32 s1;
	s10 =	sadd.s32 $0x1, s8  }
.LBB2_6:
0x16: {  	[hbm:s17] =	stream.linear.scatter [tilespmem:s14], [sflag:$0x3], $0x400, $0x38;
	[tilespmem:$0x19320] =	vst v63  }
.LBB2_7:
0x17: {  	s13 =	sadd.s32 $0x190, s11  }
0x18: {  	s15 =	smov.u32 s1;
	p2 =	slt.s32 s13, s3  }
0x19: {  	s15 =	smov.u32 @p2 s13;
	p2 =	sne.s32 s12, s10  }
.Ltmp1:
0x1a: {  	p1 =	slt.u32 s12, $0x2;
	(pc) =	sbr.rel @!p2 .LBB2_8-.Ltmp1, $4  }
0x1b: {  	s14 =	simm.s32 @!p1 $0x3  }
0x1c: {  	s16 =	sadd.s32 $0x1, s12;
	_ =	swait.ge @!p1 [sflag:s14], $0xC800  }
0x1d: {  	p0 =	por !p0, !p0;
	s13 =	smov.u32 s11;
	[sflag:s14] =	ssyncset.done @!p1 $0x0  }
0x1e: {  	s12 =	smov.u32 s16;
	s11 =	smov.u32 s15;
	[sflag:s14] =	ssyncadd.s32 @!p1 $0xFFFF3800  }
.LBB2_1:
0x1f: {  	p1 =	sge.u32 s12, s8  }
0x20: {  	s14 =	sxor.u32 @!p1 $0xFFFFFFFF, s12  }
0x21: {  	s14 =	sand.u32 @!p1 $0x1, s14  }
0x22: {  	s14 =	smul.u32 @!p1 $0x640, s14  }
0x23: {  	s31 =	sadd.s32 $0xFFFFFFFF, s12;
	s15 =	sshrl.u32 @!p1 s11, $0x3  }
0x24: {  	s16 =	sand.u32 @!p1 $0x7, s11;
	s15 =	sadd.s32 @!p1 s9, s15;
	s14 =	sshrl.u32 @!p1 s14, $0x2  }
0x25: {  	[tilespmem:s14], [sflag:$0x2] =	stream.linear.gather @!p1 [hbm4b:s15+s16], $0x190, $0x38;
	[tilespmem:$0x19320] =	vst v63  }
0x26: {  	p1 =	sge.u32 s31, s8  }
.Ltmp2:
0x27: {  	_ = 	snop;
	(pc) =	sbr.rel @p1 .LBB2_7-.Ltmp2, $1  }
0x28: {  	_ =	sdelay $0x3  }
0x29: {  	s14 =	simm.s32 $0x1  }
0x2a: {  	s14 =	simm.s32 @!p0 $0x0  }
0x2b: {  	s15 =	smul.u32 $0x640, s14  }
0x2c: {  	_ =	swait.ge [sflag:s7], $0x190  }
0x2d: {  	[sflag:s7] =	ssyncset.done $0x0;
	s16 =	sshrl.u32 s15, $0x2  }
0x2e: {  	[sflag:s7] =	ssyncadd.s32 $0xFFFFFE70;
	s15 =	sadd.s32 $0x0, s16  }
0x2f: {  	v0 =	vld.msk [tilespmem:s15+$0x0 ss:$0x1], $0xffff;
	_ =	sdelay $0x4  }
0x30: {  	vm2 =	vgt.s32 v0, $0x0  }
0x31: {  	v0 =	vnsel vm2, $0x0, v0  }
0x32: {  	v0 =	vmin.u32 v0, $0x270F  }
0x33: {  	v0 =	vshll.u32 v0, $0x4  }
0x34: {  	s14 =	smul.u32 $0x32000, s14;
	_ =	sdelay $0x1  }
0x35: {  	s14 =	sshrl.u32 s14, $0x2  }
0x36: {  	s14 =	sor.u32 $0x320, s14  }
0x37: {  	[tilespmem:s14], [sflag:$0x1] =	stream.indirect_vreg.gather [hbm:s4], $0x80, v0, vm0, $0x38;
	[tilespmem:$0x19320] =	vst v63  }
0x38: {  	s17 =	sadd.s32 $0x10, s16;
	s15 =	sadd.s32 $0x400, s14  }
0x39: {  	[tilespmem:s15], [sflag:$0x1] =	stream.indirect_vreg.gather [hbm:s4], $0x80, v0, vm1, $0x38;
	[tilespmem:$0x19320] =	vst v63  }
0x3a: {  	s18 =	simm.s32 $0x80;
	v0 =	vld.msk [tilespmem:s17+$0x0 ss:$0x1], $0xffff;
	s17 =	smov.u32 s14  }
.LBB2_3:
0x3b: {  	p1 =	sne.s32 s18, $0x600;
	_ =	sdelay $0x4  }
0x3c: {  	vm2 =	vgt.s32 v0, $0x0  }
0x3d: {  	v0 =	vnsel vm2, $0x0, v0  }
0x3e: {  	v0 =	vmin.u32 v0, $0x270F  }
0x3f: {  	v0 =	vshll.u32 v0, $0x4;
	_ =	sdelay $0x3  }
.Ltmp3:
0x40: {  	s19 =	sshra.s32 s18, $0x2;
	s17 =	sadd.s32 $0x800, s17;
	(pc) =	sbr.rel @p1 .LBB2_3-.Ltmp3, $4  }
0x41: {  	[tilespmem:s17], [sflag:$0x1] =	stream.indirect_vreg.gather [hbm:s4], $0x80, v0, vm0, $0x38;
	[tilespmem:$0x19320] =	vst v63  }
0x42: {  	s19 =	sadd.s32 s19, s16;
	s20 =	sadd.s32 $0x400, s17  }
0x43: {  	[tilespmem:s20], [sflag:$0x1] =	stream.indirect_vreg.gather [hbm:s4], $0x80, v0, vm1, $0x38;
	[tilespmem:$0x19320] =	vst v63  }
0x44: {  	s18 =	sadd.s32 $0x40, s18;
	v0 =	vld.msk [tilespmem:s19+$0x0 ss:$0x1], $0xffff  }
0x45: {  	_ =	sdelay $0x3  }
0x46: {  	vm2 =	vgt.s32 v0, $0x0  }
0x47: {  	v0 =	vnsel vm2, $0x0, v0  }
0x48: {  	v0 =	vmin.u32 v0, $0x270F  }
0x49: {  	v0 =	vshll.u32 v0, $0x4;
	_ =	sdelay $0x3  }
0x4a: {  	s16 =	sadd.s32 $0x800, s17  }
0x4b: {  	[tilespmem:s16], [sflag:$0x1] =	stream.indirect_vreg.gather [hbm:s4], $0x80, v0, vm0, $0x38;
	[tilespmem:$0x19320] =	vst v63  }
0x4c: {  	s16 =	sadd.s32 $0x400, s16  }
0x4d: {  	[tilespmem:s16], [sflag:$0x1] =	stream.indirect_vreg.gather [hbm:s4], $0x80, v0, vm1, $0x38;
	[tilespmem:$0x19320] =	vst v63  }
0x4e: {  	s13 =	sshll.u32 s13, $0x4;
	_ =	swait.ge [sflag:s6], $0xC800  }
0x4f: {  	s13 =	sadd.s32 s13, s5;
	[sflag:s6] =	ssyncset.done $0x0  }
0x50: {  	s17 =	sadd.s32 $0x0, s13;
	s16 =	simm.s32 $0x80;
	[sflag:s6] =	ssyncadd.s32 $0xFFFF3800  }
.LBB2_5:
0x51: {  	[hbm:s17] =	stream.linear.scatter [tilespmem:s14], [sflag:$0x3], $0x400, $0x38;
	[tilespmem:$0x19320] =	vst v63  }
0x52: {  	s17 =	smov.u32 s16;
	s14 =	smov.u32 s15;
	p1 =	sne.s32 s16, $0x1880  }
.Ltmp4:
0x53: {  	s16 =	sadd.s32 $0x80, s16;
	(pc) =	sbr.rel @p1 .LBB2_5-.Ltmp4, $2  }
0x54: {  	_ =	sdelay $0x2  }
0x55: {  	s15 =	sadd.s32 $0x400, s15;
	s17 =	sadd.s32 s17, s13  }
.Ltmp5:
0x56: {  	_ = 	snop;
	(pc) =	sbr.rel .LBB2_6-.Ltmp5, $1  }
0x57: {  	_ =	sdelay $0x3  }
.LBB2_8:
0x58: {  	_ =	sfence.sel $0x180000  }
0x59: {  	s1 =	simm.s32 $0x2;
	[bflag:$0x0] =	sbarrier.arrive $0xFFFF  }
0x5a: {  	s30 =	simm.s32 $0x3;
	[sflag:s1] =	ssyncpa.u1 $0x1  }
0x5b: {  	s31 =	simm.s32 $0x1;
	[sflag:s30] =	ssyncpa.u1 $0x1  }
0x5c: {  	[sflag:s31] =	ssyncpa.u1 $0x1  }
0x5d: {  	p0 =	sne.s32 s0, $0x0;
	_ =	strace $0x90000047  }
0x5e: {  	s0 =	sadd.s32 @!p0 $0x100000, s2;
	[bflag:$0x2] =	sbarrier.arrive $0xFFFF  }
0x5f: {  	[sflag:s0] =	ssyncadd.tile.s32 @!p0 $0x1;
	_ =	shalt  }
.Lfunc_end2:
_tile_overlayer_lowered:
.L_overlay_start_2:
0x60: {  	(tag) =	ssettag $0x2  }
0x61: {  	s0 =	rddreg [dreg:$0x0];
	s2 =	stileid.u32  }
0x62: {  	s1 =	rddreg [dreg:$0x1];
	p0 =	sne.s32 s2, $0x0  }
0x63: {  	s3 =	rddreg [dreg:$0x2];
	[bflag:$0x3] =	sbarrier.arrive $0xFFFF;
	s2 =	simm.s32 @!p0 $0x1C01  }
0x64: {  	[timem:s3], [sflag:s2] =	dma.local @!p0 [hbm:s0], s1  }
0x65: {  	s0 =	simm.s32 @!p0 $0x1  }
0x66: {  	_ =	swait.ge @!p0 [sflag:s0], s1  }
0x67: {  	s1 =	ssub.s32 @!p0 $0x0, s1;
	[sflag:s0] =	ssyncset.done @!p0 $0x0  }
0x68: {  	[sflag:s0] =	ssyncadd.s32 @!p0 s1  }
0x69: {  	[bflag:$0x3] =	sbarrier.arrive $0xFFFF  }
0x6a: {  	_ =	shalt  }

// kernel: kernel.11.cloned.1.call-start
scs
__scs_entry_jumppad:
0x0: {  	(pc) =	sbr.rel $0x88, $3  }
0x1: {  	(tag) =	ssettag $0x0;
	lr =	simm.s32 $0x1  }
0x2: {  	[smem:$0x3F97] =	sst lr;
	_ =	strace $0xD0000000  }
0x3: {  	_ = 	snop  }
0x4: {  	_ = 	snop  }
0x5: {  	_ = 	snop  }
0x6: {  	_ = 	snop  }
0x7: {  	_ = 	snop  }
__scs_overlays_trampoline_lowered:
0x8: {  	[smem:$0x3FA6] =	sst s0  }
0x9: {  	[smem:$0x3FA7] =	sst s1  }
0xa: {  	[smem:$0x3FA8] =	sst s2  }
0xb: {  	[smem:$0x3FA9] =	sst s3  }
0xc: {  	[smem:$0x3FAA] =	sst s4  }
0xd: {  	[smem:$0x3FAB] =	sst s5  }
0xe: {  	[smem:$0x3FAC] =	sst s6  }
0xf: {  	[smem:$0x3FAD] =	sst s7  }
0x10: {  	[smem:$0x3FAE] =	sst s8  }
0x11: {  	[smem:$0x3FAF] =	sst s9;
	s0 =	simm.s32 @!p0 $0x0  }
0x12: {  	s1 =	sld [smem:$0x3F95];
	s0 =	simm.s32 @p0 $0x1  }
0x13: {  	[smem:$0x3FB0] =	sst s0;
	s0 =	simm.s32 @!p1 $0x0  }
0x14: {  	s2 =	sld [smem:$0x3F94];
	s0 =	simm.s32 @p1 $0x1  }
0x15: {  	[smem:$0x3FB1] =	sst s0;
	s0 =	simm.s32 @!p2 $0x0  }
0x16: {  	s3 =	sld [smem:$0x3FDB];
	s0 =	simm.s32 @p2 $0x1  }
0x17: {  	s4 =	simm.s32 $0x1BF5;
	[smem:$0x3FB3] =	sst s0  }
0x18: {  	s0 =	sld [smem:$0x3F96];
	_ =	swait.ge [sflag:s4], $0x0  }
0x19: {  	s7 =	sld [smem:$0x3F97]  }
0x1a: {  	s8 =	sadd.s32 $0xFFFFE003, lr  }
0x1b: {  	s9 =	sadd.s32 $0xFFFFFEF7, lr;
	s5 =	simm.s32 $0xFFFFFFFF;
	p2 =	slt.u32 s8, $0xFFFFF086  }
0x1c: {  	p1 =	slt.u32 s9, $0xF7A;
	s5 =	simm.s32 @!p2 $0x0  }
0x1d: {  	s5 =	simm.s32 @p1 $0x1;
	p0 =	seq.s32 s7, s2  }
0x1e: {  	s7 =	smul.u32 @!p0 $0xF7A, s2;
	p2 =	seq.s32 @!p0 s5, $0x0  }
0x1f: {  	s9 =	smul.u32 $0xF7A, s1;
	s8 =	simm.s32 @!p0 $0x1BF5;
	p2 =	por !p2, p0  }
0x20: {  	[sflag:s8] =	ssyncset.s32 @!p0 $0xFFFFF086;
	s6 =	sadd.s32 @!p0 s3, s7;
	s7 =	simm.s32 @!p0 $0x108  }
0x21: {  	s3 =	sadd.s32 s3, s9;
	s6 =	sadd.s32 @!p0 $0x88, s6;
	s7 =	simm.s32 @p2 $0x1082  }
0x22: {  	[simem:s7], [sflag:s8] =	dma.local @!p0 [hbm:s6], $0xF7A  }
0x23: {  	s9 =	sor.u32 $0xD0000000, s2;
	s6 =	simm.s32 $0x108;
	_ =	swait.ge @!p0 [sflag:s8], $0x0  }
0x24: {  	s3 =	sadd.s32 $0x88, s3;
	s6 =	simm.s32 @!p1 $0x1082;
	[sflag:s4] =	ssyncset.s32 $0xFFFFF086  }
0x25: {  	[simem:s6], [sflag:s4] =	dma.local [hbm:s3], $0xF7A  }
0x26: {  	[smem:$0x3F97] =	sst s1;
	(tag) =	ssettag s2;
	_ =	strace s9  }
0x27: {  	s1 =	sld [smem:$0x3FA7]  }
0x28: {  	s2 =	sld [smem:$0x3FA8]  }
0x29: {  	s4 =	sld [smem:$0x3FAA]  }
0x2a: {  	p0 =	seq.s32 s5, $0x0;
	s5 =	sld [smem:$0x3FAB]  }
0x2b: {  	s6 =	sld [smem:$0x3FAC]  }
0x2c: {  	s7 =	sld [smem:$0x3FAD]  }
0x2d: {  	s3 =	simm.s32 $0x108;
	s8 =	sld [smem:$0x3FAE]  }
0x2e: {  	s3 =	simm.s32 @!p0 $0x1082;
	s9 =	sld [smem:$0x3FAF]  }
0x2f: {  	lr =	sadd.s32 s0, s3;
	s0 =	sld [smem:$0x3FA6]  }
0x30: {  	s3 =	sld [smem:$0x3FA9]  }
0x31: {  	[smem:$0x3FB2] =	sst s10  }
0x32: {  	s10 =	sld [smem:$0x3FB0];
	_ =	sdelay $0x3  }
0x33: {  	p0 =	seq.s32 s10, $0x1;
	s10 =	sld [smem:$0x3FB2];
	_ =	sdelay $0x3  }
0x34: {  	[smem:$0x3FB2] =	sst s10  }
0x35: {  	s10 =	sld [smem:$0x3FB1];
	_ =	sdelay $0x3  }
0x36: {  	p1 =	seq.s32 s10, $0x1;
	s10 =	sld [smem:$0x3FB2];
	_ =	sdelay $0x3  }
0x37: {  	[smem:$0x3FB2] =	sst s10  }
0x38: {  	s10 =	sld [smem:$0x3FB3]  }
0x39: {  	_ = 	snop;
	(pc) =	sbr.ind lr, $3  }
0x3a: {  	_ = 	snop  }
0x3b: {  	_ = 	snop  }
0x3c: {  	p2 =	seq.s32 s10, $0x1;
	s10 =	sld [smem:$0x3FB2]  }
0x3d: {  	_ =	shalt  }
0x3e: {  	_ =	shalt  }
0x3f: {  	_ =	shalt  }
0x40: {  	_ =	shalt  }
0x41: {  	_ =	shalt  }
0x42: {  	_ =	shalt  }
0x43: {  	_ =	shalt  }
0x44: {  	_ =	shalt  }
0x45: {  	_ =	shalt  }
0x46: {  	_ =	shalt  }
0x47: {  	_ =	shalt  }
0x48: {  	_ =	shalt  }
0x49: {  	_ =	shalt  }
0x4a: {  	_ =	shalt  }
0x4b: {  	_ =	shalt  }
0x4c: {  	_ =	shalt  }
0x4d: {  	_ =	shalt  }
0x4e: {  	_ =	shalt  }
0x4f: {  	_ =	shalt  }
0x50: {  	_ =	shalt  }
0x51: {  	_ =	shalt  }
0x52: {  	_ =	shalt  }
0x53: {  	_ =	shalt  }
0x54: {  	_ =	shalt  }
0x55: {  	_ =	shalt  }
0x56: {  	_ =	shalt  }
0x57: {  	_ =	shalt  }
0x58: {  	_ =	shalt  }
0x59: {  	_ =	shalt  }
0x5a: {  	_ =	shalt  }
0x5b: {  	_ =	shalt  }
0x5c: {  	_ =	shalt  }
0x5d: {  	_ =	shalt  }
0x5e: {  	_ =	shalt  }
0x5f: {  	_ =	shalt  }
0x60: {  	_ =	shalt  }
0x61: {  	_ =	shalt  }
0x62: {  	_ =	shalt  }
0x63: {  	_ =	shalt  }
0x64: {  	_ =	shalt  }
0x65: {  	_ =	shalt  }
0x66: {  	_ =	shalt  }
0x67: {  	_ =	shalt  }
0x68: {  	_ =	shalt  }
0x69: {  	_ =	shalt  }
0x6a: {  	_ =	shalt  }
0x6b: {  	_ =	shalt  }
0x6c: {  	_ =	shalt  }
0x6d: {  	_ =	shalt  }
0x6e: {  	_ =	shalt  }
0x6f: {  	_ =	shalt  }
0x70: {  	_ =	shalt  }
0x71: {  	_ =	shalt  }
0x72: {  	_ =	shalt  }
0x73: {  	_ =	shalt  }
0x74: {  	_ =	shalt  }
0x75: {  	_ =	shalt  }
0x76: {  	_ =	shalt  }
0x77: {  	_ =	shalt  }
0x78: {  	_ =	shalt  }
0x79: {  	_ =	shalt  }
0x7a: {  	_ =	shalt  }
0x7b: {  	_ =	shalt  }
0x7c: {  	_ =	shalt  }
0x7d: {  	_ =	shalt  }
0x7e: {  	_ =	shalt  }
0x7f: {  	_ =	shalt  }
0x80: {  	_ =	shalt  }
0x81: {  	_ =	shalt  }
0x82: {  	_ =	shalt  }
0x83: {  	_ =	shalt  }
0x84: {  	_ =	shalt  }
0x85: {  	_ =	shalt  }
0x86: {  	_ =	shalt  }
0x87: {  	_ =	shalt  }
.Lfunc_end0:
.L_simem_size_0:
called_computation.1_lowered:
.L_overlay_start_0:
0x88: {  	s2 =	sld [smem:$0x3FD9]  }
0x89: {  	s3 =	sld [smem:$0x3FFE];
	_ =	sdelay $0x1  }
0x8a: {  	s1 =	srdreg.scid  }
0x8b: {  	s0 =	sand.u32 $0x1, s1  }
0x8c: {  	s17 =	sshll.u32 s0, $0xA;
	s2 =	sadd.s32 s3, s2  }
0x8d: {  	s2 =	sadd.s32 s2, s17  }
0x8e: {  	[smem:$0x3FBE] =	sst s2  }
0x8f: {  	_ = 	snop  }
0x90: {  	(tm) =	ssettm $0x1  }
0x91: {  	s18 =	sld [smem:$0x3FFB];
	_ =	sdelay $0x3  }
0x92: {  	_ =	strace s18  }
0x93: {  	s2 =	sld [smem:$0x3FFC];
	_ =	sdelay $0x3  }
0x94: {  	_ =	strace s2  }
0x95: {  	s2 =	sld [smem:$0x3FFD];
	_ =	sdelay $0x3  }
0x96: {  	_ =	strace s2  }
0x97: {  	_ =	strace $0x8FFFFFFF  }
0x98: {  	s19 =	sld [smem:$0x3FDB];
	_ =	sdelay $0x1  }
0x99: {  	s20 =	simm.s32 $_scs_section_size  }
0x9a: {  	s4 =	simm.s32 $_size__tile_overlayer_lowered;
	s5 =	simm.s32 $_tile_overlayer_lowered  }
0x9b: {  	s6 =	simm.s32 $0x1BFF;
	s21 =	sshll.u32 s5, $0x1;
	s3 =	sadd.s32 s20, s19  }
0x9c: {  	s22 =	simm.s32 $0x0;
	s4 =	sshll.u32 s4, $0x1;
	s5 =	sadd.s32 s21, s3  }
0x9d: {  	[timem:s22], [sflag:s6] =	dma.local [hbm:s5], s4  }
0x9e: {  	_ =	swait.ge [sflag:s6], s4  }
0x9f: {  	s4 =	ssub.s32 $0x0, s4;
	[sflag:s6] =	ssyncset.done $0x0  }
0xa0: {  	[sflag:s6] =	ssyncadd.s32 s4;
	_ =	sdelay $0x1  }
0xa1: {  	s23 =	simm.s32 $0x1B8B  }
0xa2: {  	_ =	swait.ge [sflag:s23], $0x1  }
0xa3: {  	[sflag:s23] =	ssyncset.done $0x0  }
0xa4: {  	[sflag:s23] =	ssyncadd.s32 $0xFFFFFFFF  }
0xa5: {  	s4 =	sld [smem:$0x0]  }
0xa6: {  	s5 =	sand.u32 $0xFFFFFFFE, s1  }
0xa7: {  	p0 =	sne.s32 s1, s5  }
0xa8: {  	s5 =	sshll.u32 @p0 s5, $0xE  }
0xa9: {  	s5 =	sadd.s32 @p0 $0x11B8D, s5;
	s6 =	sshll.u32 @p0 s4, $0x11  }
0xaa: {  	s5 =	sor.u32 @p0 s6, s5  }
0xab: {  	[sflag:s5] =	ssyncadd.remote.s32 @p0 $0x1;
	_ =	sdelay $0x1  }
0xac: {  	s5 =	simm.s32 @p0 $0x1B8D  }
0xad: {  	_ =	swait.eq @p0 [sflag:s5], $0x1  }
0xae: {  	[sflag:s5] =	ssyncadd.s32 @p0 $0xFFFFFFFF  }
0xaf: {  	s6 =	sshll.u32 @!p0 s1, $0xE  }
0xb0: {  	s6 =	sor.u32 @!p0 $0x4000, s6;
	s5 =	simm.s32 @!p0 $0x1B8D  }
0xb1: {  	s4 =	sshll.u32 @!p0 s4, $0x11;
	s6 =	sadd.s32 @!p0 $0x11B8D, s6;
	_ =	swait.eq @!p0 [sflag:s5], $0x1  }
0xb2: {  	s4 =	sor.u32 @!p0 s4, s6;
	[sflag:s5] =	ssyncadd.s32 @!p0 $0xFFFFFFFF  }
0xb3: {  	s25 =	simm.s32 $0x1B8E;
	s24 =	sld [smem:$0x3FFE];
	[sflag:s4] =	ssyncadd.remote.s32 @!p0 $0x1  }
0xb4: {  	s26 =	simm.s32 $execute0_lowered;
	[smem:$0x3FD2] =	sst s25  }
0xb5: {  	s5 =	sshll.u32 s26, $0x1;
	_ =	strace $0x80000049;
	[dreg:$0x1] =	wrdreg $0xFFFFFFFF  }
0xb6: {  	s28 =	simm.s32 $_size_execute0_lowered;
	s3 =	sadd.s32 s3, s5;
	[dreg:$0x0] =	wrdreg $0x0  }
0xb7: {  	s5 =	sshll.u32 s28, $0x1;
	[dreg:$0x2] =	wrdreg s3  }
0xb8: {  	[dreg:$0x3] =	wrdreg s5  }
0xb9: {  	[dreg:$0x4] =	wrdreg $0xC0  }
0xba: {  	_ =	task [dreg:s22], $0x5FFFF  }
0xbb: {  	[dreg:$0x1] =	wrdreg $0xFFFFFFFF  }
0xbc: {  	[dreg:$0x0] =	wrdreg $0x60  }
0xbd: {  	[dreg:$0x2] =	wrdreg s24  }
0xbe: {  	[dreg:$0x3] =	wrdreg $0x0  }
0xbf: {  	[dreg:$0x4] =	wrdreg $0x9  }
0xc0: {  	_ =	task.clear_ibuf [dreg:s22], $0x5FFFF;
	_ =	strace $0x90000049  }
0xc1: {  	s29 =	simm.s32 $0x9;
	_ =	strace $0x8000004B  }
0xc2: {  	_ =	swait.ge [sflag:s29], $0x1  }
0xc3: {  	[sflag:s29] =	ssyncadd.s32 $0xFFFFFFFF  }
0xc4: {  	_ =	strace $0x9000004B  }
0xc5: {  	_ =	sfence  }
0xc6: {  	s30 =	sld [smem:$0x0];
	_ =	sdelay $0x2  }
0xc7: {  	s31 =	sshll.u32 s1, $0xD;
	s1 =	sshrl.u32 s1, $0x2  }
0xc8: {  	s4 =	sand.u32 $0x4000, s31;
	s1 =	sadd.s32 s1, s30  }
0xc9: {  	s0 =	sor.u32 s4, s0;
	s1 =	sshll.u32 s1, $0x11  }
0xca: {  	s0 =	sor.u32 s1, s0  }
0xcb: {  	s0 =	sadd.s32 $0x8F2B, s0  }
0xcc: {  	[sflag:s0] =	ssyncadd.remote.s32 $0x1  }
0xcd: {  	_ =	sfence.sel $0xFFFF  }
0xce: {  	[dreg:$0x0] =	wrdreg $0xFFFFFFFF;
	(pc) =	sbr.abs _section_cstart, $3  }
0xcf: {  	[dreg:$0x1] =	wrdreg $0xFFFFFFFF  }
0xd0: {  	_ =	task.clear_ibuf [dreg:s22], $0x2FFFF;
	_ =	strace $0x9FFFFFFF  }
0xd1: {  	(tm) =	ssettm $0x7FFFFFFF  }
tec
execute0_lowered:
.L_overlay_start_1:
0x0: {  	(tag) =	ssettag $0x1  }
0x1: {  	s6 =	rddreg [dreg:$0x0]  }
0x2: {  	s1 =	rddreg [dreg:$0x1]  }
0x3: {  	s0 =	rddreg [dreg:$0x2];
	s3 =	simm.s32 $0x0;
	s2 =	srdreg.scid  }
0x4: {  	s14 =	simm.s32 $0x4800;
	s15 =	simm.s32 $0x50;
	s16 =	simm.s32 $0x6800  }
0x5: {  	s17 =	simm.s32 $0x2880;
	s18 =	simm.s32 $0x9000;
	s19 =	simm.s32 $0x1  }
0x6: {  	s20 =	simm.s32 $0x4880;
	s21 =	simm.s32 $0x2;
	s22 =	simm.s32 $0x0  }
0x7: {  	[smem:$0x7FF] =	sst s3;
	s5 =	sand.u32 $0x1, s2;
	s2 =	stileid.u32  }
0x8: {  	s7 =	smul.u32 $0x28000, s5;
	s4 =	sshll.u32 s5, $0xE;
	s8 =	sshll.u32 s2, $0xA  }
0x9: {  	s9 =	smul.u32 $0x2800, s2;
	_ =	strace $0x8000004A;
	s28 =	ssub.s32 $0x2, s5  }
0xa: {  	s10 =	smul.u32 $0xA000, s2;
	s5 =	sadd.s32 $0x23400, s6;
	s4 =	sor.u32 s8, s4  }
0xb: {  	s31 =	sshll.u32 s2, $0x6;
	s29 =	sshrl.u32 s28, $0x1;
	s8 =	sadd.s32 s4, s6  }
0xc: {  	s4 =	sadd.s32 $0x23200, s6;
	s7 =	sadd.s32 s9, s7;
	s30 =	sshrl.u32 s10, $0x2  }
0xd: {  	s12 =	ssub.s32 s28, s29;
	s7 =	sshrl.u32 s7, $0x3;
	s13 =	sadd.s32 s30, s1  }
0xe: {  	s10 =	smax.u32 s12, $0x1;
	s12 =	simm.s32 $0x3;
	s11 =	sadd.s32 s7, s6  }
0xf: {  	s6 =	sor.u32 $0x1C03, s31;
	s7 =	sadd.s32 $0xB200, s8;
	s8 =	sadd.s32 $0x13200, s8  }
0x10: {  	s9 =	sadd.s32 $0x25C00, s11;
	s11 =	sshrl.u32 s13, $0x3;
	s13 =	simm.s32 $0x2800  }
.LBB2_1:
0x11: {  	[spmem:s11], [sflag:s6] =	dma.local [hbm:s5], $0x500  }
0x12: {  	_ =	swait.ge [sflag:s12], $0x500  }
0x13: {  	[sflag:s12] =	ssyncset.done $0x0  }
0x14: {  	[sflag:s12] =	ssyncadd.s32 $0xFFFFFB00  }
0x15: {  	[tilespmem:s13], [sflag:$0x3] =	stream.linear.gather [hbm4b:s7+s3], $0x2000, $0x38;
	[tilespmem:$0xB800] =	vst v63  }
0x16: {  	_ =	swait.ge [sflag:s12], $0x2000  }
0x17: {  	[sflag:s12] =	ssyncset.done $0x0  }
0x18: {  	[sflag:s12] =	ssyncadd.s32 $0xFFFFE000  }
0x19: {  	[tilespmem:s14], [sflag:$0x3] =	stream.linear.gather [hbm4b:s8+s3], $0x2000, $0x38;
	[tilespmem:$0xB800] =	vst v63  }
0x1a: {  	_ =	swait.ge [sflag:s12], $0x2000  }
0x1b: {  	[sflag:s12] =	ssyncset.done $0x0  }
0x1c: {  	[sflag:s12] =	ssyncadd.s32 $0xFFFFE000  }
0x1d: {  	[bflag:$0x0] =	sbarrier.arrive $0xFFFF  }
0x1e: {  	[tilespmem:s16], [sflag:$0x1] =	stream.indirect.gather [hbm4b:s4+s15], $0x80, s13, s15, $0xb8;
	[tilespmem:$0xB800] =	vst v63  }
0x1f: {  	_ = 	snop  }
0x20: {  	[tilespmem:s18], [sflag:$0x1] =	stream.indirect.gather [hbm4b:s4+s15], $0x80, s17, s15, $0xb8;
	[tilespmem:$0xB800] =	vst v63  }
0x21: {  	_ =	swait.ge [sflag:s19], $0x2800  }
0x22: {  	[sflag:s19] =	ssyncset.done $0x0  }
0x23: {  	[sflag:s19] =	ssyncadd.s32 $0xFFFFD800  }
0x24: {  	_ =	swait.ge [sflag:s19], $0x2800  }
0x25: {  	[sflag:s19] =	ssyncset.done $0x0  }
0x26: {  	[sflag:s19] =	ssyncadd.s32 $0xFFFFD800  }
0x27: {  	[spmem:s1] =	stream.indirect.scatter.add.f32 [tilespmem:s16], [sflag:$0x2], $0x80, s14, s15, $0xb8;
	[tilespmem:$0xB800] =	vst v63  }
0x28: {  	_ = 	snop  }
0x29: {  	[spmem:s1] =	stream.indirect.scatter.add.f32 [tilespmem:s18], [sflag:$0x2], $0x80, s20, s15, $0xb8;
	[tilespmem:$0xB800] =	vst v63  }
0x2a: {  	_ =	swait.ge [sflag:s21], $0x2800  }
0x2b: {  	[sflag:s21] =	ssyncset.done $0x0  }
0x2c: {  	[sflag:s21] =	ssyncadd.s32 $0xFFFFD800  }
0x2d: {  	_ =	swait.ge [sflag:s21], $0x2800  }
0x2e: {  	[sflag:s21] =	ssyncset.done $0x0  }
0x2f: {  	s23 =	simm.s32 $0x2900;
	[sflag:s21] =	ssyncadd.s32 $0xFFFFD800  }
0x30: {  	[tilespmem:s16], [sflag:$0x1] =	stream.indirect.gather [hbm4b:s4+s15], $0x80, s23, s15, $0xb8;
	[tilespmem:$0xB800] =	vst v63  }
0x31: {  	s30 =	simm.s32 $0x2980  }
0x32: {  	[tilespmem:s18], [sflag:$0x1] =	stream.indirect.gather [hbm4b:s4+s15], $0x80, s30, s15, $0xb8;
	[tilespmem:$0xB800] =	vst v63  }
0x33: {  	_ =	swait.ge [sflag:s19], $0x2800  }
0x34: {  	[sflag:s19] =	ssyncset.done $0x0  }
0x35: {  	[sflag:s19] =	ssyncadd.s32 $0xFFFFD800  }
0x36: {  	_ =	swait.ge [sflag:s19], $0x2800  }
0x37: {  	s31 =	simm.s32 $0x4900;
	[sflag:s19] =	ssyncset.done $0x0  }
0x38: {  	s24 =	simm.s32 $0x4980;
	s23 =	simm.s32 $0xFFFF8800;
	[sflag:s19] =	ssyncadd.s32 $0xFFFFD800  }
0x39: {  	[spmem:s1] =	stream.indirect.scatter.add.f32 [tilespmem:s16], [sflag:$0x2], $0x80, s31, s15, $0xb8;
	[tilespmem:$0xB800] =	vst v63  }
.LBB2_2:
0x3a: {  	[spmem:s1] =	stream.indirect.scatter.add.f32 [tilespmem:s18], [sflag:$0x2], $0x80, s24, s15, $0xb8;
	[tilespmem:$0xB800] =	vst v63  }
0x3b: {  	s24 =	smov.u32 s23  }
0x3c: {  	p0 =	sne.s32 s23, $0xFFFFFC00;
	s23 =	sadd.s32 $0x400, s23;
	_ =	swait.ge [sflag:s21], $0x2800  }
0x3d: {  	[sflag:s21] =	ssyncset.done $0x0  }
0x3e: {  	[sflag:s21] =	ssyncadd.s32 $0xFFFFD800  }
0x3f: {  	_ =	swait.ge [sflag:s21], $0x2800  }
0x40: {  	s24 =	sshra.s32 s24, $0x2;
	[sflag:s21] =	ssyncset.done $0x0  }
0x41: {  	s25 =	sadd.s32 $0x4800, s24;
	[sflag:s21] =	ssyncadd.s32 $0xFFFFD800  }
0x42: {  	[tilespmem:s16], [sflag:$0x1] =	stream.indirect.gather [hbm4b:s4+s15], $0x80, s25, s15, $0xb8;
	[tilespmem:$0xB800] =	vst v63  }
0x43: {  	s25 =	sadd.s32 $0x4880, s24  }
0x44: {  	[tilespmem:s18], [sflag:$0x1] =	stream.indirect.gather [hbm4b:s4+s15], $0x80, s25, s15, $0xb8;
	[tilespmem:$0xB800] =	vst v63  }
0x45: {  	_ =	swait.ge [sflag:s19], $0x2800  }
0x46: {  	[sflag:s19] =	ssyncset.done $0x0  }
0x47: {  	[sflag:s19] =	ssyncadd.s32 $0xFFFFD800  }
.Ltmp0:
0x48: {  	_ =	swait.ge [sflag:s19], $0x2800;
	(pc) =	sbr.rel @p0 .LBB2_2-.Ltmp0, $4  }
0x49: {  	[sflag:s19] =	ssyncset.done $0x0  }
0x4a: {  	s25 =	sadd.s32 $0x6800, s24;
	[sflag:s19] =	ssyncadd.s32 $0xFFFFD800  }
0x4b: {  	[spmem:s1] =	stream.indirect.scatter.add.f32 [tilespmem:s16], [sflag:$0x2], $0x80, s25, s15, $0xb8;
	[tilespmem:$0xB800] =	vst v63  }
0x4c: {  	s24 =	sadd.s32 $0x6880, s24  }
0x4d: {  	[spmem:s1] =	stream.indirect.scatter.add.f32 [tilespmem:s18], [sflag:$0x2], $0x80, s24, s15, $0xb8;
	[tilespmem:$0xB800] =	vst v63  }
0x4e: {  	_ =	swait.ge [sflag:s21], $0x2800  }
0x4f: {  	[sflag:s21] =	ssyncset.done $0x0  }
0x50: {  	[sflag:s21] =	ssyncadd.s32 $0xFFFFD800  }
0x51: {  	_ =	swait.ge [sflag:s21], $0x2800  }
0x52: {  	s22 =	sadd.s32 $0x1, s22;
	[sflag:s21] =	ssyncset.done $0x0  }
0x53: {  	p0 =	sne.s32 s22, s10;
	[sflag:s21] =	ssyncadd.s32 $0xFFFFD800  }
.Ltmp1:
0x54: {  	[bflag:$0x0] =	sbarrier.arrive $0xFFFF;
	(pc) =	sbr.rel @p0 .LBB2_1-.Ltmp1, $4  }
0x55: {  	[hbm:s9], [sflag:s6] =	dma.local [spmem:s11], $0x500  }
0x56: {  	_ =	swait.ge [sflag:s12], $0x500  }
0x57: {  	[sflag:s12] =	ssyncset.done $0x0  }
0x58: {  	[sflag:s12] =	ssyncadd.s32 $0xFFFFFB00  }
0x59: {  	_ =	sfence.sel $0x180000  }
0x5a: {  	[bflag:$0x0] =	sbarrier.arrive $0xFFFF  }
0x5b: {  	p0 =	sne.s32 s2, $0x0;
	_ =	strace $0x9000004A  }
0x5c: {  	s0 =	sadd.s32 @!p0 $0x100000, s0;
	[bflag:$0x2] =	sbarrier.arrive $0xFFFF  }
0x5d: {  	[sflag:s0] =	ssyncadd.tile.s32 @!p0 $0x1;
	_ =	shalt  }
.Lfunc_end2:
_tile_overlayer_lowered:
.L_overlay_start_2:
0x5e: {  	(tag) =	ssettag $0x2  }
0x5f: {  	s0 =	rddreg [dreg:$0x0];
	s2 =	stileid.u32  }
0x60: {  	s1 =	rddreg [dreg:$0x1];
	p0 =	sne.s32 s2, $0x0  }
0x61: {  	s3 =	rddreg [dreg:$0x2];
	[bflag:$0x3] =	sbarrier.arrive $0xFFFF;
	s2 =	simm.s32 @!p0 $0x1C03  }
0x62: {  	[timem:s3], [sflag:s2] =	dma.local @!p0 [hbm:s0], s1  }
0x63: {  	s0 =	simm.s32 @!p0 $0x3  }
0x64: {  	_ =	swait.ge @!p0 [sflag:s0], s1  }
0x65: {  	s1 =	ssub.s32 @!p0 $0x0, s1;
	[sflag:s0] =	ssyncset.done @!p0 $0x0  }
0x66: {  	[sflag:s0] =	ssyncadd.s32 @!p0 s1  }
0x67: {  	[bflag:$0x3] =	sbarrier.arrive $0xFFFF  }
0x68: {  	_ =	shalt  }

// kernel: kernel.14.cloned.1.call-start
scs
__scs_entry_jumppad:
0x0: {  	(pc) =	sbr.rel $0x88, $3  }
0x1: {  	(tag) =	ssettag $0x0;
	lr =	simm.s32 $0x1  }
0x2: {  	[smem:$0x3F97] =	sst lr;
	_ =	strace $0xD0000000  }
0x3: {  	_ = 	snop  }
0x4: {  	_ = 	snop  }
0x5: {  	_ = 	snop  }
0x6: {  	_ = 	snop  }
0x7: {  	_ = 	snop  }
__scs_overlays_trampoline_lowered:
0x8: {  	[smem:$0x3FA6] =	sst s0  }
0x9: {  	[smem:$0x3FA7] =	sst s1  }
0xa: {  	[smem:$0x3FA8] =	sst s2  }
0xb: {  	[smem:$0x3FA9] =	sst s3  }
0xc: {  	[smem:$0x3FAA] =	sst s4  }
0xd: {  	[smem:$0x3FAB] =	sst s5  }
0xe: {  	[smem:$0x3FAC] =	sst s6  }
0xf: {  	[smem:$0x3FAD] =	sst s7  }
0x10: {  	[smem:$0x3FAE] =	sst s8  }
0x11: {  	[smem:$0x3FAF] =	sst s9;
	s0 =	simm.s32 @!p0 $0x0  }
0x12: {  	s1 =	sld [smem:$0x3F95];
	s0 =	simm.s32 @p0 $0x1  }
0x13: {  	[smem:$0x3FB0] =	sst s0;
	s0 =	simm.s32 @!p1 $0x0  }
0x14: {  	s2 =	sld [smem:$0x3F94];
	s0 =	simm.s32 @p1 $0x1  }
0x15: {  	[smem:$0x3FB1] =	sst s0;
	s0 =	simm.s32 @!p2 $0x0  }
0x16: {  	s3 =	sld [smem:$0x3FDB];
	s0 =	simm.s32 @p2 $0x1  }
0x17: {  	s4 =	simm.s32 $0x1BF5;
	[smem:$0x3FB3] =	sst s0  }
0x18: {  	s0 =	sld [smem:$0x3F96];
	_ =	swait.ge [sflag:s4], $0x0  }
0x19: {  	s7 =	sld [smem:$0x3F97]  }
0x1a: {  	s8 =	sadd.s32 $0xFFFFE003, lr  }
0x1b: {  	s9 =	sadd.s32 $0xFFFFFEF7, lr;
	s5 =	simm.s32 $0xFFFFFFFF;
	p2 =	slt.u32 s8, $0xFFFFF086  }
0x1c: {  	p1 =	slt.u32 s9, $0xF7A;
	s5 =	simm.s32 @!p2 $0x0  }
0x1d: {  	s5 =	simm.s32 @p1 $0x1;
	p0 =	seq.s32 s7, s2  }
0x1e: {  	s7 =	smul.u32 @!p0 $0xF7A, s2;
	p2 =	seq.s32 @!p0 s5, $0x0  }
0x1f: {  	s9 =	smul.u32 $0xF7A, s1;
	s8 =	simm.s32 @!p0 $0x1BF5;
	p2 =	por !p2, p0  }
0x20: {  	[sflag:s8] =	ssyncset.s32 @!p0 $0xFFFFF086;
	s6 =	sadd.s32 @!p0 s3, s7;
	s7 =	simm.s32 @!p0 $0x108  }
0x21: {  	s3 =	sadd.s32 s3, s9;
	s6 =	sadd.s32 @!p0 $0x88, s6;
	s7 =	simm.s32 @p2 $0x1082  }
0x22: {  	[simem:s7], [sflag:s8] =	dma.local @!p0 [hbm:s6], $0xF7A  }
0x23: {  	s9 =	sor.u32 $0xD0000000, s2;
	s6 =	simm.s32 $0x108;
	_ =	swait.ge @!p0 [sflag:s8], $0x0  }
0x24: {  	s3 =	sadd.s32 $0x88, s3;
	s6 =	simm.s32 @!p1 $0x1082;
	[sflag:s4] =	ssyncset.s32 $0xFFFFF086  }
0x25: {  	[simem:s6], [sflag:s4] =	dma.local [hbm:s3], $0xF7A  }
0x26: {  	[smem:$0x3F97] =	sst s1;
	(tag) =	ssettag s2;
	_ =	strace s9  }
0x27: {  	s1 =	sld [smem:$0x3FA7]  }
0x28: {  	s2 =	sld [smem:$0x3FA8]  }
0x29: {  	s4 =	sld [smem:$0x3FAA]  }
0x2a: {  	p0 =	seq.s32 s5, $0x0;
	s5 =	sld [smem:$0x3FAB]  }
0x2b: {  	s6 =	sld [smem:$0x3FAC]  }
0x2c: {  	s7 =	sld [smem:$0x3FAD]  }
0x2d: {  	s3 =	simm.s32 $0x108;
	s8 =	sld [smem:$0x3FAE]  }
0x2e: {  	s3 =	simm.s32 @!p0 $0x1082;
	s9 =	sld [smem:$0x3FAF]  }
0x2f: {  	lr =	sadd.s32 s0, s3;
	s0 =	sld [smem:$0x3FA6]  }
0x30: {  	s3 =	sld [smem:$0x3FA9]  }
0x31: {  	[smem:$0x3FB2] =	sst s10  }
0x32: {  	s10 =	sld [smem:$0x3FB0];
	_ =	sdelay $0x3  }
0x33: {  	p0 =	seq.s32 s10, $0x1;
	s10 =	sld [smem:$0x3FB2];
	_ =	sdelay $0x3  }
0x34: {  	[smem:$0x3FB2] =	sst s10  }
0x35: {  	s10 =	sld [smem:$0x3FB1];
	_ =	sdelay $0x3  }
0x36: {  	p1 =	seq.s32 s10, $0x1;
	s10 =	sld [smem:$0x3FB2];
	_ =	sdelay $0x3  }
0x37: {  	[smem:$0x3FB2] =	sst s10  }
0x38: {  	s10 =	sld [smem:$0x3FB3]  }
0x39: {  	_ = 	snop;
	(pc) =	sbr.ind lr, $3  }
0x3a: {  	_ = 	snop  }
0x3b: {  	_ = 	snop  }
0x3c: {  	p2 =	seq.s32 s10, $0x1;
	s10 =	sld [smem:$0x3FB2]  }
0x3d: {  	_ =	shalt  }
0x3e: {  	_ =	shalt  }
0x3f: {  	_ =	shalt  }
0x40: {  	_ =	shalt  }
0x41: {  	_ =	shalt  }
0x42: {  	_ =	shalt  }
0x43: {  	_ =	shalt  }
0x44: {  	_ =	shalt  }
0x45: {  	_ =	shalt  }
0x46: {  	_ =	shalt  }
0x47: {  	_ =	shalt  }
0x48: {  	_ =	shalt  }
0x49: {  	_ =	shalt  }
0x4a: {  	_ =	shalt  }
0x4b: {  	_ =	shalt  }
0x4c: {  	_ =	shalt  }
0x4d: {  	_ =	shalt  }
0x4e: {  	_ =	shalt  }
0x4f: {  	_ =	shalt  }
0x50: {  	_ =	shalt  }
0x51: {  	_ =	shalt  }
0x52: {  	_ =	shalt  }
0x53: {  	_ =	shalt  }
0x54: {  	_ =	shalt  }
0x55: {  	_ =	shalt  }
0x56: {  	_ =	shalt  }
0x57: {  	_ =	shalt  }
0x58: {  	_ =	shalt  }
0x59: {  	_ =	shalt  }
0x5a: {  	_ =	shalt  }
0x5b: {  	_ =	shalt  }
0x5c: {  	_ =	shalt  }
0x5d: {  	_ =	shalt  }
0x5e: {  	_ =	shalt  }
0x5f: {  	_ =	shalt  }
0x60: {  	_ =	shalt  }
0x61: {  	_ =	shalt  }
0x62: {  	_ =	shalt  }
0x63: {  	_ =	shalt  }
0x64: {  	_ =	shalt  }
0x65: {  	_ =	shalt  }
0x66: {  	_ =	shalt  }
0x67: {  	_ =	shalt  }
0x68: {  	_ =	shalt  }
0x69: {  	_ =	shalt  }
0x6a: {  	_ =	shalt  }
0x6b: {  	_ =	shalt  }
0x6c: {  	_ =	shalt  }
0x6d: {  	_ =	shalt  }
0x6e: {  	_ =	shalt  }
0x6f: {  	_ =	shalt  }
0x70: {  	_ =	shalt  }
0x71: {  	_ =	shalt  }
0x72: {  	_ =	shalt  }
0x73: {  	_ =	shalt  }
0x74: {  	_ =	shalt  }
0x75: {  	_ =	shalt  }
0x76: {  	_ =	shalt  }
0x77: {  	_ =	shalt  }
0x78: {  	_ =	shalt  }
0x79: {  	_ =	shalt  }
0x7a: {  	_ =	shalt  }
0x7b: {  	_ =	shalt  }
0x7c: {  	_ =	shalt  }
0x7d: {  	_ =	shalt  }
0x7e: {  	_ =	shalt  }
0x7f: {  	_ =	shalt  }
0x80: {  	_ =	shalt  }
0x81: {  	_ =	shalt  }
0x82: {  	_ =	shalt  }
0x83: {  	_ =	shalt  }
0x84: {  	_ =	shalt  }
0x85: {  	_ =	shalt  }
0x86: {  	_ =	shalt  }
0x87: {  	_ =	shalt  }
.Lfunc_end0:
.L_simem_size_0:
called_computation.2_lowered:
.L_overlay_start_0:
0x88: {  	s2 =	sld [smem:$0x3FD9]  }
0x89: {  	s3 =	sld [smem:$0x3FFE];
	_ =	sdelay $0x1  }
0x8a: {  	s1 =	srdreg.scid  }
0x8b: {  	s0 =	sand.u32 $0x1, s1  }
0x8c: {  	s17 =	sshll.u32 s0, $0xA;
	s2 =	sadd.s32 s3, s2  }
0x8d: {  	s2 =	sadd.s32 s2, s17  }
0x8e: {  	[smem:$0x3FBE] =	sst s2  }
0x8f: {  	_ = 	snop  }
0x90: {  	(tm) =	ssettm $0x1  }
0x91: {  	s18 =	sld [smem:$0x3FFB];
	_ =	sdelay $0x3  }
0x92: {  	_ =	strace s18  }
0x93: {  	s2 =	sld [smem:$0x3FFC];
	_ =	sdelay $0x3  }
0x94: {  	_ =	strace s2  }
0x95: {  	s2 =	sld [smem:$0x3FFD];
	_ =	sdelay $0x3  }
0x96: {  	_ =	strace s2  }
0x97: {  	_ =	strace $0x8FFFFFFF  }
0x98: {  	s19 =	sld [smem:$0x3FDB];
	_ =	sdelay $0x1  }
0x99: {  	s20 =	simm.s32 $_scs_section_size  }
0x9a: {  	s4 =	simm.s32 $_size__tile_overlayer_lowered;
	s5 =	simm.s32 $_tile_overlayer_lowered  }
0x9b: {  	s6 =	simm.s32 $0x1BFF;
	s21 =	sshll.u32 s5, $0x1;
	s3 =	sadd.s32 s20, s19  }
0x9c: {  	s22 =	simm.s32 $0x0;
	s4 =	sshll.u32 s4, $0x1;
	s5 =	sadd.s32 s21, s3  }
0x9d: {  	[timem:s22], [sflag:s6] =	dma.local [hbm:s5], s4  }
0x9e: {  	_ =	swait.ge [sflag:s6], s4  }
0x9f: {  	s4 =	ssub.s32 $0x0, s4;
	[sflag:s6] =	ssyncset.done $0x0  }
0xa0: {  	[sflag:s6] =	ssyncadd.s32 s4;
	_ =	sdelay $0x1  }
0xa1: {  	s23 =	simm.s32 $0x1B8B  }
0xa2: {  	_ =	swait.ge [sflag:s23], $0x1  }
0xa3: {  	[sflag:s23] =	ssyncset.done $0x0  }
0xa4: {  	[sflag:s23] =	ssyncadd.s32 $0xFFFFFFFF  }
0xa5: {  	s4 =	sld [smem:$0x0]  }
0xa6: {  	s5 =	sand.u32 $0xFFFFFFFE, s1  }
0xa7: {  	p0 =	sne.s32 s1, s5  }
0xa8: {  	s5 =	sshll.u32 @p0 s5, $0xE  }
0xa9: {  	s5 =	sadd.s32 @p0 $0x11B8D, s5;
	s6 =	sshll.u32 @p0 s4, $0x11  }
0xaa: {  	s5 =	sor.u32 @p0 s6, s5  }
0xab: {  	[sflag:s5] =	ssyncadd.remote.s32 @p0 $0x1;
	_ =	sdelay $0x1  }
0xac: {  	s5 =	simm.s32 @p0 $0x1B8D  }
0xad: {  	_ =	swait.eq @p0 [sflag:s5], $0x1  }
0xae: {  	[sflag:s5] =	ssyncadd.s32 @p0 $0xFFFFFFFF  }
0xaf: {  	s6 =	sshll.u32 @!p0 s1, $0xE  }
0xb0: {  	s6 =	sor.u32 @!p0 $0x4000, s6;
	s5 =	simm.s32 @!p0 $0x1B8D  }
0xb1: {  	s4 =	sshll.u32 @!p0 s4, $0x11;
	s6 =	sadd.s32 @!p0 $0x11B8D, s6;
	_ =	swait.eq @!p0 [sflag:s5], $0x1  }
0xb2: {  	s4 =	sor.u32 @!p0 s4, s6;
	[sflag:s5] =	ssyncadd.s32 @!p0 $0xFFFFFFFF  }
0xb3: {  	s25 =	simm.s32 $0x1B8E;
	s24 =	sld [smem:$0x3FFE];
	[sflag:s4] =	ssyncadd.remote.s32 @!p0 $0x1  }
0xb4: {  	s26 =	simm.s32 $execute0_lowered;
	[smem:$0x3FD2] =	sst s25  }
0xb5: {  	s5 =	sshll.u32 s26, $0x1;
	_ =	strace $0x8000004C;
	[dreg:$0x1] =	wrdreg $0xFFFFFFFF  }
0xb6: {  	s28 =	simm.s32 $_size_execute0_lowered;
	s3 =	sadd.s32 s3, s5;
	[dreg:$0x0] =	wrdreg $0x0  }
0xb7: {  	s5 =	sshll.u32 s28, $0x1;
	[dreg:$0x2] =	wrdreg s3  }
0xb8: {  	[dreg:$0x3] =	wrdreg s5  }
0xb9: {  	[dreg:$0x4] =	wrdreg $0xC0  }
0xba: {  	_ =	task [dreg:s22], $0x5FFFF  }
0xbb: {  	[dreg:$0x1] =	wrdreg $0xFFFFFFFF  }
0xbc: {  	[dreg:$0x0] =	wrdreg $0x60  }
0xbd: {  	[dreg:$0x2] =	wrdreg s24  }
0xbe: {  	[dreg:$0x3] =	wrdreg $0x0  }
0xbf: {  	[dreg:$0x4] =	wrdreg $0xA  }
0xc0: {  	_ =	task.clear_ibuf [dreg:s22], $0x5FFFF;
	_ =	strace $0x9000004C  }
0xc1: {  	s29 =	simm.s32 $0xA;
	_ =	strace $0x8000004E  }
0xc2: {  	_ =	swait.ge [sflag:s29], $0x1  }
0xc3: {  	[sflag:s29] =	ssyncadd.s32 $0xFFFFFFFF  }
0xc4: {  	_ =	strace $0x9000004E  }
0xc5: {  	_ =	sfence  }
0xc6: {  	s30 =	sld [smem:$0x0];
	_ =	sdelay $0x2  }
0xc7: {  	s31 =	sshll.u32 s1, $0xD;
	s1 =	sshrl.u32 s1, $0x2  }
0xc8: {  	s4 =	sand.u32 $0x4000, s31;
	s1 =	sadd.s32 s1, s30  }
0xc9: {  	s0 =	sor.u32 s4, s0;
	s1 =	sshll.u32 s1, $0x11  }
0xca: {  	s0 =	sor.u32 s1, s0  }
0xcb: {  	s0 =	sadd.s32 $0x8F2B, s0  }
0xcc: {  	[sflag:s0] =	ssyncadd.remote.s32 $0x1  }
0xcd: {  	_ =	sfence.sel $0xFFFF  }
0xce: {  	[dreg:$0x0] =	wrdreg $0xFFFFFFFF;
	(pc) =	sbr.abs _section_cstart, $3  }
0xcf: {  	[dreg:$0x1] =	wrdreg $0xFFFFFFFF  }
0xd0: {  	_ =	task.clear_ibuf [dreg:s22], $0x2FFFF;
	_ =	strace $0x9FFFFFFF  }
0xd1: {  	(tm) =	ssettm $0x7FFFFFFF  }
tec
execute0_lowered:
.L_overlay_start_1:
0x0: {  	(tag) =	ssettag $0x1  }
0x1: {  	s6 =	rddreg [dreg:$0x0]  }
0x2: {  	s1 =	rddreg [dreg:$0x1]  }
0x3: {  	s0 =	rddreg [dreg:$0x2];
	s3 =	simm.s32 $0x0;
	s2 =	srdreg.scid  }
0x4: {  	s14 =	simm.s32 $0x16000;
	s15 =	simm.s32 $0x50;
	s16 =	simm.s32 $0x18000  }
0x5: {  	s17 =	simm.s32 $0x14080;
	s18 =	simm.s32 $0x1A800;
	s19 =	simm.s32 $0x1  }
0x6: {  	s20 =	simm.s32 $0x16080;
	s21 =	simm.s32 $0x2;
	s22 =	simm.s32 $0x0  }
0x7: {  	[smem:$0x7FF] =	sst s3;
	s5 =	sand.u32 $0x1, s2;
	s2 =	stileid.u32  }
0x8: {  	s7 =	smul.u32 $0x140000, s5;
	s4 =	sshll.u32 s5, $0xE;
	s8 =	sshll.u32 s2, $0xA  }
0x9: {  	s9 =	smul.u32 $0x14000, s2;
	_ =	strace $0x8000004D;
	s28 =	ssub.s32 $0x2, s5  }
0xa: {  	s10 =	smul.u32 $0x50000, s2;
	s5 =	sadd.s32 $0x23400, s6;
	s4 =	sor.u32 s8, s4  }
0xb: {  	s31 =	sshll.u32 s2, $0x6;
	s29 =	sshrl.u32 s28, $0x1;
	s8 =	sadd.s32 s4, s6  }
0xc: {  	s4 =	sadd.s32 $0x2FC00, s6;
	s7 =	sadd.s32 s9, s7;
	s30 =	sshrl.u32 s10, $0x2  }
0xd: {  	s12 =	ssub.s32 s28, s29;
	s7 =	sshrl.u32 s7, $0x3;
	s13 =	sadd.s32 s30, s1  }
0xe: {  	s10 =	smax.u32 s12, $0x1;
	s12 =	simm.s32 $0x3;
	s11 =	sadd.s32 s7, s6  }
0xf: {  	s6 =	sor.u32 $0x1C03, s31;
	s7 =	sadd.s32 $0x1B200, s8;
	s8 =	sadd.s32 $0x3200, s8  }
0x10: {  	s9 =	sadd.s32 $0x168400, s11;
	s11 =	sshrl.u32 s13, $0x3;
	s13 =	simm.s32 $0x14000  }
.LBB2_1:
0x11: {  	[spmem:s11], [sflag:s6] =	dma.local [hbm:s5], $0x2800  }
0x12: {  	_ =	swait.ge [sflag:s12], $0x2800  }
0x13: {  	[sflag:s12] =	ssyncset.done $0x0  }
0x14: {  	[sflag:s12] =	ssyncadd.s32 $0xFFFFD800  }
0x15: {  	[tilespmem:s13], [sflag:$0x3] =	stream.linear.gather [hbm4b:s7+s3], $0x2000, $0x38;
	[tilespmem:$0x1D000] =	vst v63  }
0x16: {  	_ =	swait.ge [sflag:s12], $0x2000  }
0x17: {  	[sflag:s12] =	ssyncset.done $0x0  }
0x18: {  	[sflag:s12] =	ssyncadd.s32 $0xFFFFE000  }
0x19: {  	[tilespmem:s14], [sflag:$0x3] =	stream.linear.gather [hbm4b:s8+s3], $0x2000, $0x38;
	[tilespmem:$0x1D000] =	vst v63  }
0x1a: {  	_ =	swait.ge [sflag:s12], $0x2000  }
0x1b: {  	[sflag:s12] =	ssyncset.done $0x0  }
0x1c: {  	[sflag:s12] =	ssyncadd.s32 $0xFFFFE000  }
0x1d: {  	[bflag:$0x0] =	sbarrier.arrive $0xFFFF  }
0x1e: {  	[tilespmem:s16], [sflag:$0x1] =	stream.indirect.gather [hbm4b:s4+s15], $0x80, s13, s15, $0xb8;
	[tilespmem:$0x1D000] =	vst v63  }
0x1f: {  	_ = 	snop  }
0x20: {  	[tilespmem:s18], [sflag:$0x1] =	stream.indirect.gather [hbm4b:s4+s15], $0x80, s17, s15, $0xb8;
	[tilespmem:$0x1D000] =	vst v63  }
0x21: {  	_ =	swait.ge [sflag:s19], $0x2800  }
0x22: {  	[sflag:s19] =	ssyncset.done $0x0  }
0x23: {  	[sflag:s19] =	ssyncadd.s32 $0xFFFFD800  }
0x24: {  	_ =	swait.ge [sflag:s19], $0x2800  }
0x25: {  	[sflag:s19] =	ssyncset.done $0x0  }
0x26: {  	[sflag:s19] =	ssyncadd.s32 $0xFFFFD800  }
0x27: {  	[spmem:s1] =	stream.indirect.scatter.add.f32 [tilespmem:s16], [sflag:$0x2], $0x80, s14, s15, $0xb8;
	[tilespmem:$0x1D000] =	vst v63  }
0x28: {  	_ = 	snop  }
0x29: {  	[spmem:s1] =	stream.indirect.scatter.add.f32 [tilespmem:s18], [sflag:$0x2], $0x80, s20, s15, $0xb8;
	[tilespmem:$0x1D000] =	vst v63  }
0x2a: {  	_ =	swait.ge [sflag:s21], $0x2800  }
0x2b: {  	[sflag:s21] =	ssyncset.done $0x0  }
0x2c: {  	[sflag:s21] =	ssyncadd.s32 $0xFFFFD800  }
0x2d: {  	_ =	swait.ge [sflag:s21], $0x2800  }
0x2e: {  	[sflag:s21] =	ssyncset.done $0x0  }
0x2f: {  	s23 =	simm.s32 $0x14100;
	[sflag:s21] =	ssyncadd.s32 $0xFFFFD800  }
0x30: {  	[tilespmem:s16], [sflag:$0x1] =	stream.indirect.gather [hbm4b:s4+s15], $0x80, s23, s15, $0xb8;
	[tilespmem:$0x1D000] =	vst v63  }
0x31: {  	s30 =	simm.s32 $0x14180  }
0x32: {  	[tilespmem:s18], [sflag:$0x1] =	stream.indirect.gather [hbm4b:s4+s15], $0x80, s30, s15, $0xb8;
	[tilespmem:$0x1D000] =	vst v63  }
0x33: {  	_ =	swait.ge [sflag:s19], $0x2800  }
0x34: {  	[sflag:s19] =	ssyncset.done $0x0  }
0x35: {  	[sflag:s19] =	ssyncadd.s32 $0xFFFFD800  }
0x36: {  	_ =	swait.ge [sflag:s19], $0x2800  }
0x37: {  	s31 =	simm.s32 $0x16100;
	[sflag:s19] =	ssyncset.done $0x0  }
0x38: {  	s24 =	simm.s32 $0x16180;
	s23 =	simm.s32 $0xFFFF8800;
	[sflag:s19] =	ssyncadd.s32 $0xFFFFD800  }
0x39: {  	[spmem:s1] =	stream.indirect.scatter.add.f32 [tilespmem:s16], [sflag:$0x2], $0x80, s31, s15, $0xb8;
	[tilespmem:$0x1D000] =	vst v63  }
.LBB2_2:
0x3a: {  	[spmem:s1] =	stream.indirect.scatter.add.f32 [tilespmem:s18], [sflag:$0x2], $0x80, s24, s15, $0xb8;
	[tilespmem:$0x1D000] =	vst v63  }
0x3b: {  	s24 =	smov.u32 s23  }
0x3c: {  	p0 =	sne.s32 s23, $0xFFFFFC00;
	s23 =	sadd.s32 $0x400, s23;
	_ =	swait.ge [sflag:s21], $0x2800  }
0x3d: {  	[sflag:s21] =	ssyncset.done $0x0  }
0x3e: {  	[sflag:s21] =	ssyncadd.s32 $0xFFFFD800  }
0x3f: {  	_ =	swait.ge [sflag:s21], $0x2800  }
0x40: {  	s24 =	sshra.s32 s24, $0x2;
	[sflag:s21] =	ssyncset.done $0x0  }
0x41: {  	s25 =	sadd.s32 $0x16000, s24;
	[sflag:s21] =	ssyncadd.s32 $0xFFFFD800  }
0x42: {  	[tilespmem:s16], [sflag:$0x1] =	stream.indirect.gather [hbm4b:s4+s15], $0x80, s25, s15, $0xb8;
	[tilespmem:$0x1D000] =	vst v63  }
0x43: {  	s25 =	sadd.s32 $0x16080, s24  }
0x44: {  	[tilespmem:s18], [sflag:$0x1] =	stream.indirect.gather [hbm4b:s4+s15], $0x80, s25, s15, $0xb8;
	[tilespmem:$0x1D000] =	vst v63  }
0x45: {  	_ =	swait.ge [sflag:s19], $0x2800  }
0x46: {  	[sflag:s19] =	ssyncset.done $0x0  }
0x47: {  	[sflag:s19] =	ssyncadd.s32 $0xFFFFD800  }
.Ltmp0:
0x48: {  	_ =	swait.ge [sflag:s19], $0x2800;
	(pc) =	sbr.rel @p0 .LBB2_2-.Ltmp0, $4  }
0x49: {  	[sflag:s19] =	ssyncset.done $0x0  }
0x4a: {  	s25 =	sadd.s32 $0x18000, s24;
	[sflag:s19] =	ssyncadd.s32 $0xFFFFD800  }
0x4b: {  	[spmem:s1] =	stream.indirect.scatter.add.f32 [tilespmem:s16], [sflag:$0x2], $0x80, s25, s15, $0xb8;
	[tilespmem:$0x1D000] =	vst v63  }
0x4c: {  	s24 =	sadd.s32 $0x18080, s24  }
0x4d: {  	[spmem:s1] =	stream.indirect.scatter.add.f32 [tilespmem:s18], [sflag:$0x2], $0x80, s24, s15, $0xb8;
	[tilespmem:$0x1D000] =	vst v63  }
0x4e: {  	_ =	swait.ge [sflag:s21], $0x2800  }
0x4f: {  	[sflag:s21] =	ssyncset.done $0x0  }
0x50: {  	[sflag:s21] =	ssyncadd.s32 $0xFFFFD800  }
0x51: {  	_ =	swait.ge [sflag:s21], $0x2800  }
0x52: {  	s22 =	sadd.s32 $0x1, s22;
	[sflag:s21] =	ssyncset.done $0x0  }
0x53: {  	p0 =	sne.s32 s22, s10;
	[sflag:s21] =	ssyncadd.s32 $0xFFFFD800  }
.Ltmp1:
0x54: {  	[bflag:$0x0] =	sbarrier.arrive $0xFFFF;
	(pc) =	sbr.rel @p0 .LBB2_1-.Ltmp1, $4  }
0x55: {  	[hbm:s9], [sflag:s6] =	dma.local [spmem:s11], $0x2800  }
0x56: {  	_ =	swait.ge [sflag:s12], $0x2800  }
0x57: {  	[sflag:s12] =	ssyncset.done $0x0  }
0x58: {  	[sflag:s12] =	ssyncadd.s32 $0xFFFFD800  }
0x59: {  	_ =	sfence.sel $0x180000  }
0x5a: {  	[bflag:$0x0] =	sbarrier.arrive $0xFFFF  }
0x5b: {  	p0 =	sne.s32 s2, $0x0;
	_ =	strace $0x9000004D  }
0x5c: {  	s0 =	sadd.s32 @!p0 $0x100000, s0;
	[bflag:$0x2] =	sbarrier.arrive $0xFFFF  }
0x5d: {  	[sflag:s0] =	ssyncadd.tile.s32 @!p0 $0x1;
	_ =	shalt  }
.Lfunc_end2:
_tile_overlayer_lowered:
.L_overlay_start_2:
0x5e: {  	(tag) =	ssettag $0x2  }
0x5f: {  	s0 =	rddreg [dreg:$0x0];
	s2 =	stileid.u32  }
0x60: {  	s1 =	rddreg [dreg:$0x1];
	p0 =	sne.s32 s2, $0x0  }
0x61: {  	s3 =	rddreg [dreg:$0x2];
	[bflag:$0x3] =	sbarrier.arrive $0xFFFF;
	s2 =	simm.s32 @!p0 $0x1C03  }
0x62: {  	[timem:s3], [sflag:s2] =	dma.local @!p0 [hbm:s0], s1  }
0x63: {  	s0 =	simm.s32 @!p0 $0x3  }
0x64: {  	_ =	swait.ge @!p0 [sflag:s0], s1  }
0x65: {  	s1 =	ssub.s32 @!p0 $0x0, s1;
	[sflag:s0] =	ssyncset.done @!p0 $0x0  }
0x66: {  	[sflag:s0] =	ssyncadd.s32 @!p0 s1  }
0x67: {  	[bflag:$0x3] =	sbarrier.arrive $0xFFFF  }
0x68: {  	_ =	shalt  }

// kernel: kernel.17.cloned.1.call-start
scs
__scs_entry_jumppad:
0x0: {  	(pc) =	sbr.rel $0x88, $3  }
0x1: {  	(tag) =	ssettag $0x0;
	lr =	simm.s32 $0x1  }
0x2: {  	[smem:$0x3F97] =	sst lr;
	_ =	strace $0xD0000000  }
0x3: {  	_ = 	snop  }
0x4: {  	_ = 	snop  }
0x5: {  	_ = 	snop  }
0x6: {  	_ = 	snop  }
0x7: {  	_ = 	snop  }
__scs_overlays_trampoline_lowered:
0x8: {  	[smem:$0x3FA6] =	sst s0  }
0x9: {  	[smem:$0x3FA7] =	sst s1  }
0xa: {  	[smem:$0x3FA8] =	sst s2  }
0xb: {  	[smem:$0x3FA9] =	sst s3  }
0xc: {  	[smem:$0x3FAA] =	sst s4  }
0xd: {  	[smem:$0x3FAB] =	sst s5  }
0xe: {  	[smem:$0x3FAC] =	sst s6  }
0xf: {  	[smem:$0x3FAD] =	sst s7  }
0x10: {  	[smem:$0x3FAE] =	sst s8  }
0x11: {  	[smem:$0x3FAF] =	sst s9;
	s0 =	simm.s32 @!p0 $0x0  }
0x12: {  	s1 =	sld [smem:$0x3F95];
	s0 =	simm.s32 @p0 $0x1  }
0x13: {  	[smem:$0x3FB0] =	sst s0;
	s0 =	simm.s32 @!p1 $0x0  }
0x14: {  	s2 =	sld [smem:$0x3F94];
	s0 =	simm.s32 @p1 $0x1  }
0x15: {  	[smem:$0x3FB1] =	sst s0;
	s0 =	simm.s32 @!p2 $0x0  }
0x16: {  	s3 =	sld [smem:$0x3FDB];
	s0 =	simm.s32 @p2 $0x1  }
0x17: {  	s4 =	simm.s32 $0x1BF5;
	[smem:$0x3FB3] =	sst s0  }
0x18: {  	s0 =	sld [smem:$0x3F96];
	_ =	swait.ge [sflag:s4], $0x0  }
0x19: {  	s7 =	sld [smem:$0x3F97]  }
0x1a: {  	s8 =	sadd.s32 $0xFFFFE003, lr  }
0x1b: {  	s9 =	sadd.s32 $0xFFFFFEF7, lr;
	s5 =	simm.s32 $0xFFFFFFFF;
	p2 =	slt.u32 s8, $0xFFFFF086  }
0x1c: {  	p1 =	slt.u32 s9, $0xF7A;
	s5 =	simm.s32 @!p2 $0x0  }
0x1d: {  	s5 =	simm.s32 @p1 $0x1;
	p0 =	seq.s32 s7, s2  }
0x1e: {  	s7 =	smul.u32 @!p0 $0xF7A, s2;
	p2 =	seq.s32 @!p0 s5, $0x0  }
0x1f: {  	s9 =	smul.u32 $0xF7A, s1;
	s8 =	simm.s32 @!p0 $0x1BF5;
	p2 =	por !p2, p0  }
0x20: {  	[sflag:s8] =	ssyncset.s32 @!p0 $0xFFFFF086;
	s6 =	sadd.s32 @!p0 s3, s7;
	s7 =	simm.s32 @!p0 $0x108  }
0x21: {  	s3 =	sadd.s32 s3, s9;
	s6 =	sadd.s32 @!p0 $0x88, s6;
	s7 =	simm.s32 @p2 $0x1082  }
0x22: {  	[simem:s7], [sflag:s8] =	dma.local @!p0 [hbm:s6], $0xF7A  }
0x23: {  	s9 =	sor.u32 $0xD0000000, s2;
	s6 =	simm.s32 $0x108;
	_ =	swait.ge @!p0 [sflag:s8], $0x0  }
0x24: {  	s3 =	sadd.s32 $0x88, s3;
	s6 =	simm.s32 @!p1 $0x1082;
	[sflag:s4] =	ssyncset.s32 $0xFFFFF086  }
0x25: {  	[simem:s6], [sflag:s4] =	dma.local [hbm:s3], $0xF7A  }
0x26: {  	[smem:$0x3F97] =	sst s1;
	(tag) =	ssettag s2;
	_ =	strace s9  }
0x27: {  	s1 =	sld [smem:$0x3FA7]  }
0x28: {  	s2 =	sld [smem:$0x3FA8]  }
0x29: {  	s4 =	sld [smem:$0x3FAA]  }
0x2a: {  	p0 =	seq.s32 s5, $0x0;
	s5 =	sld [smem:$0x3FAB]  }
0x2b: {  	s6 =	sld [smem:$0x3FAC]  }
0x2c: {  	s7 =	sld [smem:$0x3FAD]  }
0x2d: {  	s3 =	simm.s32 $0x108;
	s8 =	sld [smem:$0x3FAE]  }
0x2e: {  	s3 =	simm.s32 @!p0 $0x1082;
	s9 =	sld [smem:$0x3FAF]  }
0x2f: {  	lr =	sadd.s32 s0, s3;
	s0 =	sld [smem:$0x3FA6]  }
0x30: {  	s3 =	sld [smem:$0x3FA9]  }
0x31: {  	[smem:$0x3FB2] =	sst s10  }
0x32: {  	s10 =	sld [smem:$0x3FB0];
	_ =	sdelay $0x3  }
0x33: {  	p0 =	seq.s32 s10, $0x1;
	s10 =	sld [smem:$0x3FB2];
	_ =	sdelay $0x3  }
0x34: {  	[smem:$0x3FB2] =	sst s10  }
0x35: {  	s10 =	sld [smem:$0x3FB1];
	_ =	sdelay $0x3  }
0x36: {  	p1 =	seq.s32 s10, $0x1;
	s10 =	sld [smem:$0x3FB2];
	_ =	sdelay $0x3  }
0x37: {  	[smem:$0x3FB2] =	sst s10  }
0x38: {  	s10 =	sld [smem:$0x3FB3]  }
0x39: {  	_ = 	snop;
	(pc) =	sbr.ind lr, $3  }
0x3a: {  	_ = 	snop  }
0x3b: {  	_ = 	snop  }
0x3c: {  	p2 =	seq.s32 s10, $0x1;
	s10 =	sld [smem:$0x3FB2]  }
0x3d: {  	_ =	shalt  }
0x3e: {  	_ =	shalt  }
0x3f: {  	_ =	shalt  }
0x40: {  	_ =	shalt  }
0x41: {  	_ =	shalt  }
0x42: {  	_ =	shalt  }
0x43: {  	_ =	shalt  }
0x44: {  	_ =	shalt  }
0x45: {  	_ =	shalt  }
0x46: {  	_ =	shalt  }
0x47: {  	_ =	shalt  }
0x48: {  	_ =	shalt  }
0x49: {  	_ =	shalt  }
0x4a: {  	_ =	shalt  }
0x4b: {  	_ =	shalt  }
0x4c: {  	_ =	shalt  }
0x4d: {  	_ =	shalt  }
0x4e: {  	_ =	shalt  }
0x4f: {  	_ =	shalt  }
0x50: {  	_ =	shalt  }
0x51: {  	_ =	shalt  }
0x52: {  	_ =	shalt  }
0x53: {  	_ =	shalt  }
0x54: {  	_ =	shalt  }
0x55: {  	_ =	shalt  }
0x56: {  	_ =	shalt  }
0x57: {  	_ =	shalt  }
0x58: {  	_ =	shalt  }
0x59: {  	_ =	shalt  }
0x5a: {  	_ =	shalt  }
0x5b: {  	_ =	shalt  }
0x5c: {  	_ =	shalt  }
0x5d: {  	_ =	shalt  }
0x5e: {  	_ =	shalt  }
0x5f: {  	_ =	shalt  }
0x60: {  	_ =	shalt  }
0x61: {  	_ =	shalt  }
0x62: {  	_ =	shalt  }
0x63: {  	_ =	shalt  }
0x64: {  	_ =	shalt  }
0x65: {  	_ =	shalt  }
0x66: {  	_ =	shalt  }
0x67: {  	_ =	shalt  }
0x68: {  	_ =	shalt  }
0x69: {  	_ =	shalt  }
0x6a: {  	_ =	shalt  }
0x6b: {  	_ =	shalt  }
0x6c: {  	_ =	shalt  }
0x6d: {  	_ =	shalt  }
0x6e: {  	_ =	shalt  }
0x6f: {  	_ =	shalt  }
0x70: {  	_ =	shalt  }
0x71: {  	_ =	shalt  }
0x72: {  	_ =	shalt  }
0x73: {  	_ =	shalt  }
0x74: {  	_ =	shalt  }
0x75: {  	_ =	shalt  }
0x76: {  	_ =	shalt  }
0x77: {  	_ =	shalt  }
0x78: {  	_ =	shalt  }
0x79: {  	_ =	shalt  }
0x7a: {  	_ =	shalt  }
0x7b: {  	_ =	shalt  }
0x7c: {  	_ =	shalt  }
0x7d: {  	_ =	shalt  }
0x7e: {  	_ =	shalt  }
0x7f: {  	_ =	shalt  }
0x80: {  	_ =	shalt  }
0x81: {  	_ =	shalt  }
0x82: {  	_ =	shalt  }
0x83: {  	_ =	shalt  }
0x84: {  	_ =	shalt  }
0x85: {  	_ =	shalt  }
0x86: {  	_ =	shalt  }
0x87: {  	_ =	shalt  }
.Lfunc_end0:
.L_simem_size_0:
called_computation.3_lowered:
.L_overlay_start_0:
0x88: {  	s2 =	sld [smem:$0x3FD9]  }
0x89: {  	s3 =	sld [smem:$0x3FFE];
	_ =	sdelay $0x1  }
0x8a: {  	s1 =	srdreg.scid  }
0x8b: {  	s0 =	sand.u32 $0x1, s1  }
0x8c: {  	s16 =	sshll.u32 s0, $0xA;
	s2 =	sadd.s32 s3, s2  }
0x8d: {  	s2 =	sadd.s32 s2, s16  }
0x8e: {  	[smem:$0x3FBE] =	sst s2  }
0x8f: {  	_ = 	snop  }
0x90: {  	(tm) =	ssettm $0x1  }
0x91: {  	s17 =	sld [smem:$0x3FFB];
	_ =	sdelay $0x3  }
0x92: {  	_ =	strace s17  }
0x93: {  	s2 =	sld [smem:$0x3FFC];
	_ =	sdelay $0x3  }
0x94: {  	_ =	strace s2  }
0x95: {  	s2 =	sld [smem:$0x3FFD];
	_ =	sdelay $0x3  }
0x96: {  	_ =	strace s2  }
0x97: {  	_ =	strace $0x8FFFFFFF  }
0x98: {  	s18 =	sld [smem:$0x3FDB];
	_ =	sdelay $0x1  }
0x99: {  	s19 =	simm.s32 $_scs_section_size  }
0x9a: {  	s4 =	simm.s32 $_size__tile_overlayer_lowered;
	s5 =	simm.s32 $_tile_overlayer_lowered  }
0x9b: {  	s22 =	simm.s32 $0x1BFF;
	s21 =	sshll.u32 s5, $0x1;
	s2 =	sadd.s32 s19, s18  }
0x9c: {  	s6 =	simm.s32 $0x0;
	s20 =	sshll.u32 s4, $0x1;
	s4 =	sadd.s32 s21, s2  }
0x9d: {  	[timem:s6], [sflag:s22] =	dma.local [hbm:s4], s20  }
0x9e: {  	_ =	swait.ge [sflag:s22], s20  }
0x9f: {  	s3 =	ssub.s32 $0x0, s20;
	[sflag:s22] =	ssyncset.done $0x0  }
0xa0: {  	[sflag:s22] =	ssyncadd.s32 s3;
	_ =	sdelay $0x1  }
0xa1: {  	s23 =	simm.s32 $0x1B8B  }
0xa2: {  	_ =	swait.ge [sflag:s23], $0x1  }
0xa3: {  	[sflag:s23] =	ssyncset.done $0x0  }
0xa4: {  	s25 =	simm.s32 $0x1B8E;
	s24 =	sld [smem:$0x3FFE];
	[sflag:s23] =	ssyncadd.s32 $0xFFFFFFFF  }
0xa5: {  	s26 =	simm.s32 $execute0_lowered;
	[smem:$0x3FD2] =	sst s25  }
0xa6: {  	s4 =	sshll.u32 s26, $0x1;
	_ =	strace $0x8000004F;
	[dreg:$0x1] =	wrdreg $0xFFFFFFFF  }
0xa7: {  	s28 =	simm.s32 $_size_execute0_lowered;
	s2 =	sadd.s32 s2, s4;
	[dreg:$0x0] =	wrdreg $0x0  }
0xa8: {  	s4 =	sshll.u32 s28, $0x1;
	[dreg:$0x2] =	wrdreg s2  }
0xa9: {  	[dreg:$0x3] =	wrdreg s4  }
0xaa: {  	[dreg:$0x4] =	wrdreg $0xC0  }
0xab: {  	_ =	task [dreg:s6], $0x5FFFF  }
0xac: {  	[dreg:$0x1] =	wrdreg $0xFFFFFFFF  }
0xad: {  	[dreg:$0x0] =	wrdreg $0x60  }
0xae: {  	[dreg:$0x2] =	wrdreg s24  }
0xaf: {  	[dreg:$0x3] =	wrdreg $0x0  }
0xb0: {  	[dreg:$0x4] =	wrdreg $0x9  }
0xb1: {  	_ =	task.clear_ibuf [dreg:s6], $0x5FFFF;
	_ =	strace $0x9000004F  }
0xb2: {  	s29 =	simm.s32 $0x9;
	_ =	strace $0x80000051  }
0xb3: {  	_ =	swait.ge [sflag:s29], $0x1  }
0xb4: {  	[sflag:s29] =	ssyncadd.s32 $0xFFFFFFFF  }
0xb5: {  	_ =	strace $0x90000051  }
0xb6: {  	_ =	sfence  }
0xb7: {  	s30 =	sld [smem:$0x0];
	_ =	sdelay $0x2  }
0xb8: {  	s31 =	sshll.u32 s1, $0xD;
	s1 =	sshrl.u32 s1, $0x2  }
0xb9: {  	s3 =	sand.u32 $0x4000, s31;
	s1 =	sadd.s32 s1, s30  }
0xba: {  	s0 =	sor.u32 s3, s0;
	s1 =	sshll.u32 s1, $0x11  }
0xbb: {  	s0 =	sor.u32 s1, s0  }
0xbc: {  	s0 =	sadd.s32 $0x8F2B, s0  }
0xbd: {  	[sflag:s0] =	ssyncadd.remote.s32 $0x1  }
0xbe: {  	_ =	sfence.sel $0xFFFF  }
0xbf: {  	[dreg:$0x0] =	wrdreg $0xFFFFFFFF;
	(pc) =	sbr.abs _section_cstart, $3  }
0xc0: {  	[dreg:$0x1] =	wrdreg $0xFFFFFFFF  }
0xc1: {  	_ =	task.clear_ibuf [dreg:s6], $0x2FFFF;
	_ =	strace $0x9FFFFFFF  }
0xc2: {  	(tm) =	ssettm $0x7FFFFFFF  }
0xc3: {  	_ =	shalt  }
tec
execute0_lowered:
.L_overlay_start_1:
0x0: {  	(tag) =	ssettag $0x1  }
0x1: {  	s6 =	rddreg [dreg:$0x0]  }
0x2: {  	s1 =	rddreg [dreg:$0x1]  }
0x3: {  	s0 =	rddreg [dreg:$0x2];
	s3 =	simm.s32 $0x0;
	s2 =	srdreg.scid  }
0x4: {  	s14 =	simm.s32 $0x16000;
	s15 =	simm.s32 $0x50;
	s16 =	simm.s32 $0x18000  }
0x5: {  	s17 =	simm.s32 $0x14080;
	s18 =	simm.s32 $0x1A800;
	s19 =	simm.s32 $0x1  }
0x6: {  	s20 =	simm.s32 $0x16080;
	s21 =	simm.s32 $0x2;
	s22 =	simm.s32 $0x0  }
0x7: {  	[smem:$0x7FF] =	sst s3;
	s5 =	sand.u32 $0x1, s2;
	s2 =	stileid.u32  }
0x8: {  	s7 =	smul.u32 $0x140000, s5;
	s4 =	sshll.u32 s5, $0xE;
	s8 =	sshll.u32 s2, $0xA  }
0x9: {  	s9 =	smul.u32 $0x14000, s2;
	_ =	strace $0x80000050;
	s28 =	ssub.s32 $0x2, s5  }
0xa: {  	s10 =	smul.u32 $0x50000, s2;
	s5 =	sadd.s32 $0x23400, s6;
	s4 =	sor.u32 s8, s4  }
0xb: {  	s31 =	sshll.u32 s2, $0x6;
	s29 =	sshrl.u32 s28, $0x1;
	s8 =	sadd.s32 s4, s6  }
0xc: {  	s4 =	sadd.s32 $0x25C00, s6;
	s7 =	sadd.s32 s9, s7;
	s30 =	sshrl.u32 s10, $0x2  }
0xd: {  	s12 =	ssub.s32 s28, s29;
	s7 =	sshrl.u32 s7, $0x3;
	s13 =	sadd.s32 s30, s1  }
0xe: {  	s10 =	smax.u32 s12, $0x1;
	s12 =	simm.s32 $0x3;
	s11 =	sadd.s32 s7, s6  }
0xf: {  	s6 =	sor.u32 $0x1C03, s31;
	s7 =	sadd.s32 $0x1B200, s8;
	s8 =	sadd.s32 $0x3200, s8  }
0x10: {  	s9 =	sadd.s32 $0x15E400, s11;
	s11 =	sshrl.u32 s13, $0x3;
	s13 =	simm.s32 $0x14000  }
.LBB2_1:
0x11: {  	[spmem:s11], [sflag:s6] =	dma.local [hbm:s5], $0x2800  }
0x12: {  	_ =	swait.ge [sflag:s12], $0x2800  }
0x13: {  	[sflag:s12] =	ssyncset.done $0x0  }
0x14: {  	[sflag:s12] =	ssyncadd.s32 $0xFFFFD800  }
0x15: {  	[tilespmem:s13], [sflag:$0x3] =	stream.linear.gather [hbm4b:s7+s3], $0x2000, $0x38;
	[tilespmem:$0x1D000] =	vst v63  }
0x16: {  	_ =	swait.ge [sflag:s12], $0x2000  }
0x17: {  	[sflag:s12] =	ssyncset.done $0x0  }
0x18: {  	[sflag:s12] =	ssyncadd.s32 $0xFFFFE000  }
0x19: {  	[tilespmem:s14], [sflag:$0x3] =	stream.linear.gather [hbm4b:s8+s3], $0x2000, $0x38;
	[tilespmem:$0x1D000] =	vst v63  }
0x1a: {  	_ =	swait.ge [sflag:s12], $0x2000  }
0x1b: {  	[sflag:s12] =	ssyncset.done $0x0  }
0x1c: {  	[sflag:s12] =	ssyncadd.s32 $0xFFFFE000  }
0x1d: {  	[bflag:$0x0] =	sbarrier.arrive $0xFFFF  }
0x1e: {  	[tilespmem:s16], [sflag:$0x1] =	stream.indirect.gather [hbm4b:s4+s15], $0x80, s13, s15, $0xb8;
	[tilespmem:$0x1D000] =	vst v63  }
0x1f: {  	_ = 	snop  }
0x20: {  	[tilespmem:s18], [sflag:$0x1] =	stream.indirect.gather [hbm4b:s4+s15], $0x80, s17, s15, $0xb8;
	[tilespmem:$0x1D000] =	vst v63  }
0x21: {  	_ =	swait.ge [sflag:s19], $0x2800  }
0x22: {  	[sflag:s19] =	ssyncset.done $0x0  }
0x23: {  	[sflag:s19] =	ssyncadd.s32 $0xFFFFD800  }
0x24: {  	_ =	swait.ge [sflag:s19], $0x2800  }
0x25: {  	[sflag:s19] =	ssyncset.done $0x0  }
0x26: {  	[sflag:s19] =	ssyncadd.s32 $0xFFFFD800  }
0x27: {  	[spmem:s1] =	stream.indirect.scatter.add.f32 [tilespmem:s16], [sflag:$0x2], $0x80, s14, s15, $0xb8;
	[tilespmem:$0x1D000] =	vst v63  }
0x28: {  	_ = 	snop  }
0x29: {  	[spmem:s1] =	stream.indirect.scatter.add.f32 [tilespmem:s18], [sflag:$0x2], $0x80, s20, s15, $0xb8;
	[tilespmem:$0x1D000] =	vst v63  }
0x2a: {  	_ =	swait.ge [sflag:s21], $0x2800  }
0x2b: {  	[sflag:s21] =	ssyncset.done $0x0  }
0x2c: {  	[sflag:s21] =	ssyncadd.s32 $0xFFFFD800  }
0x2d: {  	_ =	swait.ge [sflag:s21], $0x2800  }
0x2e: {  	[sflag:s21] =	ssyncset.done $0x0  }
0x2f: {  	s23 =	simm.s32 $0x14100;
	[sflag:s21] =	ssyncadd.s32 $0xFFFFD800  }
0x30: {  	[tilespmem:s16], [sflag:$0x1] =	stream.indirect.gather [hbm4b:s4+s15], $0x80, s23, s15, $0xb8;
	[tilespmem:$0x1D000] =	vst v63  }
0x31: {  	s30 =	simm.s32 $0x14180  }
0x32: {  	[tilespmem:s18], [sflag:$0x1] =	stream.indirect.gather [hbm4b:s4+s15], $0x80, s30, s15, $0xb8;
	[tilespmem:$0x1D000] =	vst v63  }
0x33: {  	_ =	swait.ge [sflag:s19], $0x2800  }
0x34: {  	[sflag:s19] =	ssyncset.done $0x0  }
0x35: {  	[sflag:s19] =	ssyncadd.s32 $0xFFFFD800  }
0x36: {  	_ =	swait.ge [sflag:s19], $0x2800  }
0x37: {  	s31 =	simm.s32 $0x16100;
	[sflag:s19] =	ssyncset.done $0x0  }
0x38: {  	s24 =	simm.s32 $0x16180;
	s23 =	simm.s32 $0xFFFF8800;
	[sflag:s19] =	ssyncadd.s32 $0xFFFFD800  }
0x39: {  	[spmem:s1] =	stream.indirect.scatter.add.f32 [tilespmem:s16], [sflag:$0x2], $0x80, s31, s15, $0xb8;
	[tilespmem:$0x1D000] =	vst v63  }
.LBB2_2:
0x3a: {  	[spmem:s1] =	stream.indirect.scatter.add.f32 [tilespmem:s18], [sflag:$0x2], $0x80, s24, s15, $0xb8;
	[tilespmem:$0x1D000] =	vst v63  }
0x3b: {  	s24 =	smov.u32 s23  }
0x3c: {  	p0 =	sne.s32 s23, $0xFFFFFC00;
	s23 =	sadd.s32 $0x400, s23;
	_ =	swait.ge [sflag:s21], $0x2800  }
0x3d: {  	[sflag:s21] =	ssyncset.done $0x0  }
0x3e: {  	[sflag:s21] =	ssyncadd.s32 $0xFFFFD800  }
0x3f: {  	_ =	swait.ge [sflag:s21], $0x2800  }
0x40: {  	s24 =	sshra.s32 s24, $0x2;
	[sflag:s21] =	ssyncset.done $0x0  }
0x41: {  	s25 =	sadd.s32 $0x16000, s24;
	[sflag:s21] =	ssyncadd.s32 $0xFFFFD800  }
0x42: {  	[tilespmem:s16], [sflag:$0x1] =	stream.indirect.gather [hbm4b:s4+s15], $0x80, s25, s15, $0xb8;
	[tilespmem:$0x1D000] =	vst v63  }
0x43: {  	s25 =	sadd.s32 $0x16080, s24  }
0x44: {  	[tilespmem:s18], [sflag:$0x1] =	stream.indirect.gather [hbm4b:s4+s15], $0x80, s25, s15, $0xb8;
	[tilespmem:$0x1D000] =	vst v63  }
0x45: {  	_ =	swait.ge [sflag:s19], $0x2800  }
0x46: {  	[sflag:s19] =	ssyncset.done $0x0  }
0x47: {  	[sflag:s19] =	ssyncadd.s32 $0xFFFFD800  }
.Ltmp0:
0x48: {  	_ =	swait.ge [sflag:s19], $0x2800;
	(pc) =	sbr.rel @p0 .LBB2_2-.Ltmp0, $4  }
0x49: {  	[sflag:s19] =	ssyncset.done $0x0  }
0x4a: {  	s25 =	sadd.s32 $0x18000, s24;
	[sflag:s19] =	ssyncadd.s32 $0xFFFFD800  }
0x4b: {  	[spmem:s1] =	stream.indirect.scatter.add.f32 [tilespmem:s16], [sflag:$0x2], $0x80, s25, s15, $0xb8;
	[tilespmem:$0x1D000] =	vst v63  }
0x4c: {  	s24 =	sadd.s32 $0x18080, s24  }
0x4d: {  	[spmem:s1] =	stream.indirect.scatter.add.f32 [tilespmem:s18], [sflag:$0x2], $0x80, s24, s15, $0xb8;
	[tilespmem:$0x1D000] =	vst v63  }
0x4e: {  	_ =	swait.ge [sflag:s21], $0x2800  }
0x4f: {  	[sflag:s21] =	ssyncset.done $0x0  }
0x50: {  	[sflag:s21] =	ssyncadd.s32 $0xFFFFD800  }
0x51: {  	_ =	swait.ge [sflag:s21], $0x2800  }
0x52: {  	s22 =	sadd.s32 $0x1, s22;
	[sflag:s21] =	ssyncset.done $0x0  }
0x53: {  	p0 =	sne.s32 s22, s10;
	[sflag:s21] =	ssyncadd.s32 $0xFFFFD800  }
.Ltmp1:
0x54: {  	[bflag:$0x0] =	sbarrier.arrive $0xFFFF;
	(pc) =	sbr.rel @p0 .LBB2_1-.Ltmp1, $4  }
0x55: {  	[hbm:s9], [sflag:s6] =	dma.local [spmem:s11], $0x2800  }
0x56: {  	_ =	swait.ge [sflag:s12], $0x2800  }
0x57: {  	[sflag:s12] =	ssyncset.done $0x0  }
0x58: {  	[sflag:s12] =	ssyncadd.s32 $0xFFFFD800  }
0x59: {  	_ =	sfence.sel $0x180000  }
0x5a: {  	[bflag:$0x0] =	sbarrier.arrive $0xFFFF  }
0x5b: {  	p0 =	sne.s32 s2, $0x0;
	_ =	strace $0x90000050  }
0x5c: {  	s0 =	sadd.s32 @!p0 $0x100000, s0;
	[bflag:$0x2] =	sbarrier.arrive $0xFFFF  }
0x5d: {  	[sflag:s0] =	ssyncadd.tile.s32 @!p0 $0x1;
	_ =	shalt  }
.Lfunc_end2:
_tile_overlayer_lowered:
.L_overlay_start_2:
0x5e: {  	(tag) =	ssettag $0x2  }
0x5f: {  	s0 =	rddreg [dreg:$0x0];
	s2 =	stileid.u32  }
0x60: {  	s1 =	rddreg [dreg:$0x1];
	p0 =	sne.s32 s2, $0x0  }
0x61: {  	s3 =	rddreg [dreg:$0x2];
	[bflag:$0x3] =	sbarrier.arrive $0xFFFF;
	s2 =	simm.s32 @!p0 $0x1C03  }
0x62: {  	[timem:s3], [sflag:s2] =	dma.local @!p0 [hbm:s0], s1  }
0x63: {  	s0 =	simm.s32 @!p0 $0x3  }
0x64: {  	_ =	swait.ge @!p0 [sflag:s0], s1  }
0x65: {  	s1 =	ssub.s32 @!p0 $0x0, s1;
	[sflag:s0] =	ssyncset.done @!p0 $0x0  }
0x66: {  	[sflag:s0] =	ssyncadd.s32 @!p0 s1  }
0x67: {  	[bflag:$0x3] =	sbarrier.arrive $0xFFFF  }
0x68: {  	_ =	shalt  }

</sc_bundles>
